<compile_context>
chip_gen: v7x
topology: tpu7x:2x2x1
jax: 0.10.2.dev20260603
libtpu: 0.0.44.dev20260713+nightly
codegen_flags: <defaults>
</compile_context>

<pallas_src>
import functools

import jax
import jax.numpy as jnp
from jax import lax
from jax.experimental import pallas as pl
from jax.experimental.pallas import tpu as pltpu
from jax.experimental.pallas import tpu_sc as plsc

ENTITY_SIZE = 128
NUM_COLS = 21
EDGE_TYPE_COL = 9
PAIRS = [(0, 1), (2, 3), (4, 5), (6, 7), (8, 9), (10, 11), (12, 13),
         (14, 15), (16, 17), (18, 19)]
TROWS = len(PAIRS) * 64 + 8

NC, NS, L = 2, 16, 16
NW = NC * NS

def _tpair_body(poke8, w0, w1, rows8, wbits, w14, w15p, bstack, out, t168):
    f32 = jnp.float32
    dot = functools.partial(jnp.dot, preferred_element_type=f32)
    rowi = lax.broadcasted_iota(jnp.int32, (8, 3), 0)
    coli = lax.broadcasted_iota(jnp.int32, (8, 3), 1)
    bits3 = ((rowi >> coli) & 1).astype(f32)
    vcol = lax.broadcasted_iota(jnp.int32, (8, 1), 0).astype(f32)
    c = [None] * NUM_COLS
    c[0] = dot(poke8[...], w0[...])
    c[1] = dot(poke8[...], w1[...])
    for j in range(2, 10):
        c[j] = rows8[(j - 2) * 8:(j - 1) * 8, :]
    c[10] = dot(bits3, wbits[0:3] + wbits[3:6]) + vcol * (1.0 / 1023.0) * w14[0:1]
    c[11] = dot(bits3, wbits[6:9])
    c[12] = dot(bits3[:, :2], wbits[9:11])
    bias = jnp.sum(bstack[...], axis=0, keepdims=True)
    c[13] = w15p[0:8] + bias
    rowid = lax.broadcasted_iota(jnp.int32, (8, 1), 0)
    for j in range(7):
        a = 8 + 13 * j + 6
        blk = jnp.where(rowid < 7, w15p[a:a + 8], 0.0)
        c[14 + j] = 0.5 * vcol * w14[1 + j:2 + j] + blk
    for k, (a, b) in enumerate(PAIRS):
        blk = (c[a][:, None, :] + c[b][None, :, :]).reshape(64, ENTITY_SIZE)
        out[64 * k:64 * (k + 1), :] = blk
    out[64 * len(PAIRS):, :] = c[20]
    for j in range(NUM_COLS):
        t168[8 * j:8 * (j + 1), :] = c[j]


def _build_tpair(poke_embeddings, params):
    w = [p['w'] for p in params]
    poke8 = poke_embeddings[:8]
    rows8 = jnp.concatenate([w[j][:8] for j in range(2, 10)], axis=0)
    wbits = jnp.concatenate([w[10][:3], w[11][:3], w[12][:3], w[13][:2]],
                            axis=0)
    wbits = jnp.pad(wbits, ((0, 5), (0, 0)))
    w15p = jnp.pad(w[15], ((0, 5), (0, 0)))
    bstack = jnp.stack([p['b'] for p in params], axis=0)
    return pl.pallas_call(
        _tpair_body,
        out_shape=[
            jax.ShapeDtypeStruct((TROWS, ENTITY_SIZE), jnp.float32),
            jax.ShapeDtypeStruct((NUM_COLS * 8, ENTITY_SIZE), jnp.float32),
        ],
    )(poke8, w[0], w[1], rows8, wbits, w[14], w15p, bstack)


def _tc_encode_body(e_ref, t_ref, o_ref):
    f32 = jnp.float32
    e = e_ref[...]
    ef = e.astype(f32)
    noh = NUM_COLS * 8
    rowi = lax.broadcasted_iota(jnp.int32, (NUM_COLS, noh), 0)
    coli = lax.broadcasted_iota(jnp.int32, (NUM_COLS, noh), 1)
    rsel = (coli // 8 == rowi).astype(f32)
    expanded = jnp.dot(ef, rsel, preferred_element_type=f32)
    modv = (lax.broadcasted_iota(jnp.int32, (1, noh), 1) & 7).astype(f32)
    oh = (jnp.abs(expanded - modv) < 0.5).astype(f32)
    out = jnp.dot(oh, t_ref[...], preferred_element_type=f32)
    m = e[:, EDGE_TYPE_COL:EDGE_TYPE_COL + 1] != 0
    o_ref[...] = jnp.where(m, out, 0.0)


def _tc_encode(edge_tc, t168):
    n = edge_tc.shape[0]
    block = 512
    noh = NUM_COLS * 8
    return pl.pallas_call(
        _tc_encode_body,
        grid=(n // block,),
        in_specs=[
            pl.BlockSpec((block, NUM_COLS), lambda i: (i, 0)),
            pl.BlockSpec((noh, ENTITY_SIZE), lambda i: (0, 0)),
        ],
        out_specs=pl.BlockSpec((block, ENTITY_SIZE), lambda i: (i, 0)),
        out_shape=jax.ShapeDtypeStruct((n, ENTITY_SIZE), jnp.float32),
    )(edge_tc, t168)


def _sc_encode(edge1d, tpair1d, n):
    epw = n // NW
    sub = 128
    mesh = plsc.VectorSubcoreMesh(core_axis_name="c", subcore_axis_name="s",
                                  num_cores=NC, num_subcores=NS)

    @functools.partial(
        pl.kernel, mesh=mesh,
        compiler_params=pltpu.CompilerParams(needs_layout_passes=False),
        out_type=jax.ShapeDtypeStruct((n * ENTITY_SIZE,), jnp.float32),
        scratch_types=[
            pltpu.VMEM((TROWS * ENTITY_SIZE,), jnp.float32),
            pltpu.VMEM((epw * NUM_COLS,), jnp.int32),
            pltpu.VMEM((sub * ENTITY_SIZE,), jnp.float32),
            pltpu.VMEM((sub * ENTITY_SIZE,), jnp.float32),
            pltpu.SemaphoreType.DMA,
            pltpu.SemaphoreType.DMA,
        ],
    )
    def body(edge_hbm, tpair_hbm, out_hbm, tpair_v, edge_v, out_v0, out_v1,
             sem0, sem1):
        wid = lax.axis_index("s") * NC + lax.axis_index("c")
        base = wid * epw
        sems = (sem0, sem1)
        cp_t = pltpu.async_copy(tpair_hbm, tpair_v, sem0)
        cp_e = pltpu.async_copy(
            edge_hbm.at[pl.ds(base * NUM_COLS, epw * NUM_COLS)], edge_v, sem1)
        cp_e.wait()
        cp_t.wait()
        iota16 = lax.broadcasted_iota(jnp.int32, (L,), 0)
        out_descs = [None] * (epw // sub)
        for s in range(epw // sub):
            out_v = (out_v0, out_v1)[s % 2]
            if s >= 2:
                out_descs[s - 2].wait()

            @plsc.parallel_loop(0, sub // L)
            def _group(g):
                eoff = (g * L + s * sub) * NUM_COLS
                idxe = iota16 * NUM_COLS + eoff
                e = [plsc.load_gather(edge_v, [idxe + j])
                     for j in range(NUM_COLS)]
                mask = e[EDGE_TYPE_COL] != 0
                fidx = [(k * 64 + 8 * e[a] + e[b]) * ENTITY_SIZE
                        for k, (a, b) in enumerate(PAIRS)]
                fidx.append((64 * len(PAIRS) + e[20]) * ENTITY_SIZE)
                obase = (g * L + iota16) * ENTITY_SIZE

                @plsc.parallel_loop(0, ENTITY_SIZE)
                def _d_loop(d):
                    dvec = (d + iota16) & (ENTITY_SIZE - 1)
                    v = [plsc.load_gather(tpair_v, [fidx[k] + dvec])
                         for k in range(11)]
                    acc = (((v[0] + v[1]) + (v[2] + v[3]))
                           + ((v[4] + v[5]) + (v[6] + v[7]))
                           + ((v[8] + v[9]) + v[10]))
                    plsc.store_scatter(out_v, [obase + dvec],
                                       jnp.where(mask, acc, 0.0))

            out_descs[s] = pltpu.async_copy(
                out_v,
                out_hbm.at[pl.ds((base + s * sub) * ENTITY_SIZE,
                                 sub * ENTITY_SIZE)],
                sems[s % 2])
        for s in range(max(0, epw // sub - 2), epw // sub):
            out_descs[s].wait()

    return body(edge1d, tpair1d)


def kernel(edge, poke_embeddings, params):
    n = edge.shape[0]
    n_sc = n // 2
    tpair, t168 = _build_tpair(poke_embeddings, params)
    emb_sc = _sc_encode(edge[:n_sc].reshape(-1), tpair.reshape(-1), n_sc)
    emb_tc = _tc_encode(edge[n_sc:], t168)
    emb = jnp.concatenate([emb_sc.reshape(n_sc, ENTITY_SIZE), emb_tc], axis=0)
    mask = edge[:, EDGE_TYPE_COL] != 0
    return emb, mask

# --- scband reference (transcript-rebuilt; emitter-appended) ---
"""Pipeline reference for scband-encoder-50826642980972 (READ-ONLY COPY).

The authoritative reference and input builder live on the scoring server;
editing this copy changes nothing except your own understanding.
"""

import jax, jax.numpy as jnp
import numpy as np

ENTITY_SIZE = 128
NUM_MOVES = 919
NUM_ITEMS = 576
NUM_ABILITIES = 314
NUM_MAJOR_ARGS = 16
NUM_MINOR_ARGS = 128
NUM_EFFECTS = 512
NUM_EDGE_FROM_TYPES = 16
NUM_EDGE_TYPES = 8
NUM_STATUS = 8
EDGE_TYPE_NONE = 0

# FeatureEdge packed layout (column indices into the edge int vector)
POKE1_INDEX = 0
POKE2_INDEX = 1
MOVE_TOKEN = 2
ITEM_TOKEN = 3
ABILITY_TOKEN = 4
MAJOR_ARG = 5
MINOR_ARG = 6
FROM_SOURCE_TOKEN = 7
FROM_TYPE_TOKEN = 8
EDGE_TYPE_TOKEN = 9
DAMAGE_TOKEN = 10
TURN_ORDER_VALUE = 11
EDGE_AFFECTING_SIDE = 12
STATUS_TOKEN = 13
BOOST_ATK = 14  # 7 consecutive boost columns: 14..20
NUM_EDGE_FEATURES = 21


def _nbits(world_dim):
    return (world_dim - 1).bit_length()

# input dims of each of the 16 embedding streams fed to Dense(entity_size)
_EMB_DIMS = [
    ENTITY_SIZE,            # poke1 embedding
    ENTITY_SIZE,            # poke2 embedding
    NUM_MOVES,              # move one-hot
    NUM_ITEMS,              # item one-hot
    NUM_ABILITIES,          # ability one-hot
    NUM_MAJOR_ARGS,         # major arg one-hot
    NUM_MINOR_ARGS,         # minor arg one-hot
    NUM_EFFECTS,            # from-source one-hot
    NUM_EDGE_FROM_TYPES,    # from-type one-hot
    NUM_EDGE_TYPES,         # edge-type one-hot
    _nbits(1023),           # binary damage (clipped)
    _nbits(1023),           # binary |damage|
    _nbits(20),             # binary turn order
    _nbits(3),              # binary affecting side
    8,                      # rescaled features: damage + 7 boosts
    NUM_STATUS + 7 * 13,    # boolean_code: status one-hot + 7 boost one-hots(13)
]


def _binary_scale_embedding(x, world_dim):
    num_bits = _nbits(world_dim)
    bit_mask = jnp.asarray(1 << np.arange(num_bits), jnp.int32)
    return (jnp.bitwise_and(x.astype(jnp.int32), bit_mask) != 0).astype(jnp.float32)


def _select_entity_embedding(poke_embeddings, idx):
    return jnp.where(idx >= 0, jnp.take(poke_embeddings, idx, axis=0), 0.0)


def _encode_edge(edge, poke_embeddings, params):
    e = edge.astype(jnp.int32)
    embeddings = [
        _select_entity_embedding(poke_embeddings, e[POKE1_INDEX]),
        _select_entity_embedding(poke_embeddings, e[POKE2_INDEX]),
        jax.nn.one_hot(e[MOVE_TOKEN], NUM_MOVES),
        jax.nn.one_hot(e[ITEM_TOKEN], NUM_ITEMS),
        jax.nn.one_hot(e[ABILITY_TOKEN], NUM_ABILITIES),
        jax.nn.one_hot(e[MAJOR_ARG], NUM_MAJOR_ARGS),
        jax.nn.one_hot(e[MINOR_ARG], NUM_MINOR_ARGS),
        jax.nn.one_hot(e[FROM_SOURCE_TOKEN], NUM_EFFECTS),
        jax.nn.one_hot(e[FROM_TYPE_TOKEN], NUM_EDGE_FROM_TYPES),
        jax.nn.one_hot(e[EDGE_TYPE_TOKEN], NUM_EDGE_TYPES),
        _binary_scale_embedding(jnp.maximum(e[DAMAGE_TOKEN], 0), 1023),
        _binary_scale_embedding(jnp.maximum(jnp.abs(e[DAMAGE_TOKEN]), 0), 1023),
        _binary_scale_embedding(e[TURN_ORDER_VALUE], 20),
        _binary_scale_embedding(e[EDGE_AFFECTING_SIDE], 3),
        jnp.concatenate([
            e[DAMAGE_TOKEN:DAMAGE_TOKEN + 1].astype(jnp.float32) * (1.0 / 1023.0),
            e[BOOST_ATK:BOOST_ATK + 7].astype(jnp.float32) * 0.5,
        ], axis=0),
    ]
    one_hot_encoded = [jax.nn.one_hot(e[STATUS_TOKEN], NUM_STATUS)]
    for i in range(7):
        one_hot_encoded.append(jax.nn.one_hot(e[BOOST_ATK + i] + 6, 13))
    boolean_code = jnp.concatenate(one_hot_encoded, axis=-1).astype(jnp.float32)
    embeddings.append(boolean_code)

    total = jnp.zeros((ENTITY_SIZE,), jnp.float32)
    for x, p in zip(embeddings, params):
        total = total + x @ p['w'] + p['b']
    mask = jnp.not_equal(e[EDGE_TYPE_TOKEN], EDGE_TYPE_NONE)
    embedding = jnp.where(mask, total, 0.0)
    return embedding, mask


def setup_inputs(seed: int = 0) -> dict:
    key = jax.random.key(seed)
    ks = jax.random.split(key, 2 + len(_EMB_DIMS))
    edge = jax.random.randint(ks[0], (16384, NUM_EDGE_FEATURES), 0, 8, dtype=jnp.int32)
    poke_embeddings = jax.random.normal(ks[1], (1024, ENTITY_SIZE), dtype=jnp.float32)
    params = []
    for i, d in enumerate(_EMB_DIMS):
        w = jax.random.normal(ks[2 + i], (d, ENTITY_SIZE), dtype=jnp.float32) / np.sqrt(d)
        b = jnp.zeros((ENTITY_SIZE,), jnp.float32)
        params.append({'w': w, 'b': b})
    return {'edge': edge, 'poke_embeddings': poke_embeddings, 'params': params}


def reference(edge, poke_embeddings, params):
    emb, mask = jax.vmap(_encode_edge, in_axes=(0, None, None))(edge, poke_embeddings, params)
    return emb, mask

if __name__ == "__main__":
    import jax
    _d = setup_inputs()
    print(jax.jit(kernel)(*tuple(_d.values())))

</pallas_src>

<mosaic_0001>
#map = affine_map<(d0, d1) -> (0)>
module attributes {stable_mosaic.version = 14 : i64} {
  func.func @body(%arg0: i32, %arg1: i32, %arg2: memref<172032xi32, #tpu.memory_space<hbm>>, %arg3: memref<82944xf32, #tpu.memory_space<hbm>>, %arg4: memref<1048576xf32, #tpu.memory_space<hbm>>, %arg5: memref<82944xf32, #tpu.memory_space<vmem>>, %arg6: memref<5376xi32, #tpu.memory_space<vmem>>, %arg7: memref<16384xf32, #tpu.memory_space<vmem>>, %arg8: memref<16384xf32, #tpu.memory_space<vmem>>, %arg9: memref<!tpu.dma_semaphore, #tpu.memory_space<semaphore_mem>>, %arg10: memref<!tpu.dma_semaphore, #tpu.memory_space<semaphore_mem>>) attributes {dimension_semantics = [#tpu.dimension_semantics<core_parallel>, #tpu.dimension_semantics<subcore_parallel>], iteration_bounds = array<i64: 2, 16>, scalar_prefetch = 0 : i64, scratch_operands = 6 : i64, tpu.core_type = #tpu.core_type<sc_vector_subcore>, window_params = [{transform_indices = #map}, {transform_indices = #map}, {transform_indices = #map}]} {
    %mul3A = arith.constant 2 : i32
    %mul3A_0 = arith.muli %arg1, %mul3A : i32
    %add3A = arith.addi %mul3A_0, %arg0 : i32
    %mul3A_1 = arith.constant 256 : i32
    %mul3A_2 = arith.muli %add3A, %mul3A_1 : i32
    tpu.enqueue_dma source(%arg3 : memref<82944xf32, #tpu.memory_space<hbm>>) target(%arg5 : memref<82944xf32, #tpu.memory_space<vmem>>) target_semaphore(%arg9 : memref<!tpu.dma_semaphore, #tpu.memory_space<semaphore_mem>>)
    %mul3A_3 = arith.constant 21 : i32
    %mul3A_4 = arith.muli %mul3A_2, %mul3A_3 : i32
    %dma_start3A = tpu.memref_slice %arg2[%mul3A_4] : memref<172032xi32, #tpu.memory_space<hbm>> -> memref<5376xi32, #tpu.memory_space<hbm>>
    %dma_start3A_5 = tpu.memref_slice %arg2[%mul3A_4] : memref<172032xi32, #tpu.memory_space<hbm>> -> memref<5376xi32, #tpu.memory_space<hbm>>
    tpu.enqueue_dma source(%dma_start3A_5 : memref<5376xi32, #tpu.memory_space<hbm>>) target(%arg6 : memref<5376xi32, #tpu.memory_space<vmem>>) target_semaphore(%arg10 : memref<!tpu.dma_semaphore, #tpu.memory_space<semaphore_mem>>)
    %dma_wait3A = tpu.memref_slice %arg2[%mul3A_4] : memref<172032xi32, #tpu.memory_space<hbm>> -> memref<5376xi32, #tpu.memory_space<hbm>>
    %dma_wait3A_6 = tpu.memref_slice %arg2[%mul3A_4] : memref<172032xi32, #tpu.memory_space<hbm>> -> memref<5376xi32, #tpu.memory_space<hbm>>
    tpu.wait_dma2 semaphore(%arg10 : memref<!tpu.dma_semaphore, #tpu.memory_space<semaphore_mem>>) src(%dma_wait3A_6 : memref<5376xi32, #tpu.memory_space<hbm>>) dst(%arg6 : memref<5376xi32, #tpu.memory_space<vmem>>)
    tpu.wait_dma2 semaphore(%arg9 : memref<!tpu.dma_semaphore, #tpu.memory_space<semaphore_mem>>) src(%arg3 : memref<82944xf32, #tpu.memory_space<hbm>>) dst(%arg5 : memref<82944xf32, #tpu.memory_space<vmem>>)
    %iota3A = tpu.iota {dimensions = array<i32: 0>} : vector<16xi32>
    %parallel_loop3A = arith.constant 0 : i32
    %parallel_loop3A_7 = arith.constant 8 : i32
    %parallel_loop3A_8 = arith.constant 1 : i32
    scf.for %parallel_loop3A_28 = %parallel_loop3A to %parallel_loop3A_7 step %parallel_loop3A_8  : i32 {
      %parallel_loop3A_29 = arith.constant 16 : i32
      %parallel_loop3A_30 = arith.muli %parallel_loop3A_28, %parallel_loop3A_29 : i32
      %parallel_loop3A_31 = arith.constant 0 : i32
      %parallel_loop3A_32 = arith.addi %parallel_loop3A_30, %parallel_loop3A_31 : i32
      %parallel_loop3A_33 = arith.constant 21 : i32
      %parallel_loop3A_34 = arith.muli %parallel_loop3A_32, %parallel_loop3A_33 : i32
      %parallel_loop3A_35 = arith.constant 21 : i32
      %parallel_loop3A_36 = vector.broadcast %parallel_loop3A_35 : i32 to vector<16xi32>
      %parallel_loop3A_37 = arith.muli %iota3A, %parallel_loop3A_36 : vector<16xi32>
      %parallel_loop3A_38 = vector.broadcast %parallel_loop3A_34 : i32 to vector<16xi32>
      %parallel_loop3A_39 = arith.addi %parallel_loop3A_37, %parallel_loop3A_38 : vector<16xi32>
      %parallel_loop3A_40 = arith.constant 0 : i32
      %parallel_loop3A_41 = vector.broadcast %parallel_loop3A_40 : i32 to vector<16xi32>
      %parallel_loop3A_42 = arith.addi %parallel_loop3A_39, %parallel_loop3A_41 : vector<16xi32>
      %parallel_loop3A_43 = tpu.vector_load_idx %arg6[%parallel_loop3A_42] : memref<5376xi32, #tpu.memory_space<vmem>>[vector<16xi32>], vector<16xi32>,
      %parallel_loop3A_44 = arith.constant 1 : i32
      %parallel_loop3A_45 = vector.broadcast %parallel_loop3A_44 : i32 to vector<16xi32>
      %parallel_loop3A_46 = arith.addi %parallel_loop3A_39, %parallel_loop3A_45 : vector<16xi32>
      %parallel_loop3A_47 = tpu.vector_load_idx %arg6[%parallel_loop3A_46] : memref<5376xi32, #tpu.memory_space<vmem>>[vector<16xi32>], vector<16xi32>,
      %parallel_loop3A_48 = arith.constant 2 : i32
      %parallel_loop3A_49 = vector.broadcast %parallel_loop3A_48 : i32 to vector<16xi32>
      %parallel_loop3A_50 = arith.addi %parallel_loop3A_39, %parallel_loop3A_49 : vector<16xi32>
      %parallel_loop3A_51 = tpu.vector_load_idx %arg6[%parallel_loop3A_50] : memref<5376xi32, #tpu.memory_space<vmem>>[vector<16xi32>], vector<16xi32>,
      %parallel_loop3A_52 = arith.constant 3 : i32
      %parallel_loop3A_53 = vector.broadcast %parallel_loop3A_52 : i32 to vector<16xi32>
      %parallel_loop3A_54 = arith.addi %parallel_loop3A_39, %parallel_loop3A_53 : vector<16xi32>
      %parallel_loop3A_55 = tpu.vector_load_idx %arg6[%parallel_loop3A_54] : memref<5376xi32, #tpu.memory_space<vmem>>[vector<16xi32>], vector<16xi32>,
      %parallel_loop3A_56 = arith.constant 4 : i32
      %parallel_loop3A_57 = vector.broadcast %parallel_loop3A_56 : i32 to vector<16xi32>
      %parallel_loop3A_58 = arith.addi %parallel_loop3A_39, %parallel_loop3A_57 : vector<16xi32>
      %parallel_loop3A_59 = tpu.vector_load_idx %arg6[%parallel_loop3A_58] : memref<5376xi32, #tpu.memory_space<vmem>>[vector<16xi32>], vector<16xi32>,
      %parallel_loop3A_60 = arith.constant 5 : i32
      %parallel_loop3A_61 = vector.broadcast %parallel_loop3A_60 : i32 to vector<16xi32>
      %parallel_loop3A_62 = arith.addi %parallel_loop3A_39, %parallel_loop3A_61 : vector<16xi32>
      %parallel_loop3A_63 = tpu.vector_load_idx %arg6[%parallel_loop3A_62] : memref<5376xi32, #tpu.memory_space<vmem>>[vector<16xi32>], vector<16xi32>,
      %parallel_loop3A_64 = arith.constant 6 : i32
      %parallel_loop3A_65 = vector.broadcast %parallel_loop3A_64 : i32 to vector<16xi32>
      %parallel_loop3A_66 = arith.addi %parallel_loop3A_39, %parallel_loop3A_65 : vector<16xi32>
      %parallel_loop3A_67 = tpu.vector_load_idx %arg6[%parallel_loop3A_66] : memref<5376xi32, #tpu.memory_space<vmem>>[vector<16xi32>], vector<16xi32>,
      %parallel_loop3A_68 = arith.constant 7 : i32
      %parallel_loop3A_69 = vector.broadcast %parallel_loop3A_68 : i32 to vector<16xi32>
      %parallel_loop3A_70 = arith.addi %parallel_loop3A_39, %parallel_loop3A_69 : vector<16xi32>
      %parallel_loop3A_71 = tpu.vector_load_idx %arg6[%parallel_loop3A_70] : memref<5376xi32, #tpu.memory_space<vmem>>[vector<16xi32>], vector<16xi32>,
      %parallel_loop3A_72 = arith.constant 8 : i32
      %parallel_loop3A_73 = vector.broadcast %parallel_loop3A_72 : i32 to vector<16xi32>
      %parallel_loop3A_74 = arith.addi %parallel_loop3A_39, %parallel_loop3A_73 : vector<16xi32>
      %parallel_loop3A_75 = tpu.vector_load_idx %arg6[%parallel_loop3A_74] : memref<5376xi32, #tpu.memory_space<vmem>>[vector<16xi32>], vector<16xi32>,
      %parallel_loop3A_76 = arith.constant 9 : i32
      %parallel_loop3A_77 = vector.broadcast %parallel_loop3A_76 : i32 to vector<16xi32>
      %parallel_loop3A_78 = arith.addi %parallel_loop3A_39, %parallel_loop3A_77 : vector<16xi32>
      %parallel_loop3A_79 = tpu.vector_load_idx %arg6[%parallel_loop3A_78] : memref<5376xi32, #tpu.memory_space<vmem>>[vector<16xi32>], vector<16xi32>,
      %parallel_loop3A_80 = arith.constant 10 : i32
      %parallel_loop3A_81 = vector.broadcast %parallel_loop3A_80 : i32 to vector<16xi32>
      %parallel_loop3A_82 = arith.addi %parallel_loop3A_39, %parallel_loop3A_81 : vector<16xi32>
      %parallel_loop3A_83 = tpu.vector_load_idx %arg6[%parallel_loop3A_82] : memref<5376xi32, #tpu.memory_space<vmem>>[vector<16xi32>], vector<16xi32>,
      %parallel_loop3A_84 = arith.constant 11 : i32
      %parallel_loop3A_85 = vector.broadcast %parallel_loop3A_84 : i32 to vector<16xi32>
      %parallel_loop3A_86 = arith.addi %parallel_loop3A_39, %parallel_loop3A_85 : vector<16xi32>
      %parallel_loop3A_87 = tpu.vector_load_idx %arg6[%parallel_loop3A_86] : memref<5376xi32, #tpu.memory_space<vmem>>[vector<16xi32>], vector<16xi32>,
      %parallel_loop3A_88 = arith.constant 12 : i32
      %parallel_loop3A_89 = vector.broadcast %parallel_loop3A_88 : i32 to vector<16xi32>
      %parallel_loop3A_90 = arith.addi %parallel_loop3A_39, %parallel_loop3A_89 : vector<16xi32>
      %parallel_loop3A_91 = tpu.vector_load_idx %arg6[%parallel_loop3A_90] : memref<5376xi32, #tpu.memory_space<vmem>>[vector<16xi32>], vector<16xi32>,
      %parallel_loop3A_92 = arith.constant 13 : i32
      %parallel_loop3A_93 = vector.broadcast %parallel_loop3A_92 : i32 to vector<16xi32>
      %parallel_loop3A_94 = arith.addi %parallel_loop3A_39, %parallel_loop3A_93 : vector<16xi32>
      %parallel_loop3A_95 = tpu.vector_load_idx %arg6[%parallel_loop3A_94] : memref<5376xi32, #tpu.memory_space<vmem>>[vector<16xi32>], vector<16xi32>,
      %parallel_loop3A_96 = arith.constant 14 : i32
      %parallel_loop3A_97 = vector.broadcast %parallel_loop3A_96 : i32 to vector<16xi32>
      %parallel_loop3A_98 = arith.addi %parallel_loop3A_39, %parallel_loop3A_97 : vector<16xi32>
      %parallel_loop3A_99 = tpu.vector_load_idx %arg6[%parallel_loop3A_98] : memref<5376xi32, #tpu.memory_space<vmem>>[vector<16xi32>], vector<16xi32>,
      %parallel_loop3A_100 = arith.constant 15 : i32
      %parallel_loop3A_101 = vector.broadcast %parallel_loop3A_100 : i32 to vector<16xi32>
      %parallel_loop3A_102 = arith.addi %parallel_loop3A_39, %parallel_loop3A_101 : vector<16xi32>
      %parallel_loop3A_103 = tpu.vector_load_idx %arg6[%parallel_loop3A_102] : memref<5376xi32, #tpu.memory_space<vmem>>[vector<16xi32>], vector<16xi32>,
      %parallel_loop3A_104 = arith.constant 16 : i32
      %parallel_loop3A_105 = vector.broadcast %parallel_loop3A_104 : i32 to vector<16xi32>
      %parallel_loop3A_106 = arith.addi %parallel_loop3A_39, %parallel_loop3A_105 : vector<16xi32>
      %parallel_loop3A_107 = tpu.vector_load_idx %arg6[%parallel_loop3A_106] : memref<5376xi32, #tpu.memory_space<vmem>>[vector<16xi32>], vector<16xi32>,
      %parallel_loop3A_108 = arith.constant 17 : i32
      %parallel_loop3A_109 = vector.broadcast %parallel_loop3A_108 : i32 to vector<16xi32>
      %parallel_loop3A_110 = arith.addi %parallel_loop3A_39, %parallel_loop3A_109 : vector<16xi32>
      %parallel_loop3A_111 = tpu.vector_load_idx %arg6[%parallel_loop3A_110] : memref<5376xi32, #tpu.memory_space<vmem>>[vector<16xi32>], vector<16xi32>,
      %parallel_loop3A_112 = arith.constant 18 : i32
      %parallel_loop3A_113 = vector.broadcast %parallel_loop3A_112 : i32 to vector<16xi32>
      %parallel_loop3A_114 = arith.addi %parallel_loop3A_39, %parallel_loop3A_113 : vector<16xi32>
      %parallel_loop3A_115 = tpu.vector_load_idx %arg6[%parallel_loop3A_114] : memref<5376xi32, #tpu.memory_space<vmem>>[vector<16xi32>], vector<16xi32>,
      %parallel_loop3A_116 = arith.constant 19 : i32
      %parallel_loop3A_117 = vector.broadcast %parallel_loop3A_116 : i32 to vector<16xi32>
      %parallel_loop3A_118 = arith.addi %parallel_loop3A_39, %parallel_loop3A_117 : vector<16xi32>
      %parallel_loop3A_119 = tpu.vector_load_idx %arg6[%parallel_loop3A_118] : memref<5376xi32, #tpu.memory_space<vmem>>[vector<16xi32>], vector<16xi32>,
      %parallel_loop3A_120 = arith.constant 20 : i32
      %parallel_loop3A_121 = vector.broadcast %parallel_loop3A_120 : i32 to vector<16xi32>
      %parallel_loop3A_122 = arith.addi %parallel_loop3A_39, %parallel_loop3A_121 : vector<16xi32>
      %parallel_loop3A_123 = tpu.vector_load_idx %arg6[%parallel_loop3A_122] : memref<5376xi32, #tpu.memory_space<vmem>>[vector<16xi32>], vector<16xi32>,
      %parallel_loop3A_124 = arith.constant 0 : i32
      %parallel_loop3A_125 = vector.broadcast %parallel_loop3A_124 : i32 to vector<16xi32>
      %parallel_loop3A_126 = arith.cmpi ne, %parallel_loop3A_79, %parallel_loop3A_125 : vector<16xi32>
      %parallel_loop3A_127 = arith.constant 8 : i32
      %parallel_loop3A_128 = vector.broadcast %parallel_loop3A_127 : i32 to vector<16xi32>
      %parallel_loop3A_129 = arith.muli %parallel_loop3A_128, %parallel_loop3A_43 : vector<16xi32>
      %parallel_loop3A_130 = arith.constant 0 : i32
      %parallel_loop3A_131 = vector.broadcast %parallel_loop3A_130 : i32 to vector<16xi32>
      %parallel_loop3A_132 = arith.addi %parallel_loop3A_131, %parallel_loop3A_129 : vector<16xi32>
      %parallel_loop3A_133 = arith.addi %parallel_loop3A_132, %parallel_loop3A_47 : vector<16xi32>
      %parallel_loop3A_134 = arith.constant 128 : i32
      %parallel_loop3A_135 = vector.broadcast %parallel_loop3A_134 : i32 to vector<16xi32>
      %parallel_loop3A_136 = arith.muli %parallel_loop3A_133, %parallel_loop3A_135 : vector<16xi32>
      %parallel_loop3A_137 = arith.constant 8 : i32
      %parallel_loop3A_138 = vector.broadcast %parallel_loop3A_137 : i32 to vector<16xi32>
      %parallel_loop3A_139 = arith.muli %parallel_loop3A_138, %parallel_loop3A_51 : vector<16xi32>
      %parallel_loop3A_140 = arith.constant 64 : i32
      %parallel_loop3A_141 = vector.broadcast %parallel_loop3A_140 : i32 to vector<16xi32>
      %parallel_loop3A_142 = arith.addi %parallel_loop3A_141, %parallel_loop3A_139 : vector<16xi32>
      %parallel_loop3A_143 = arith.addi %parallel_loop3A_142, %parallel_loop3A_55 : vector<16xi32>
      %parallel_loop3A_144 = arith.constant 128 : i32
      %parallel_loop3A_145 = vector.broadcast %parallel_loop3A_144 : i32 to vector<16xi32>
      %parallel_loop3A_146 = arith.muli %parallel_loop3A_143, %parallel_loop3A_145 : vector<16xi32>
      %parallel_loop3A_147 = arith.constant 8 : i32
      %parallel_loop3A_148 = vector.broadcast %parallel_loop3A_147 : i32 to vector<16xi32>
      %parallel_loop3A_149 = arith.muli %parallel_loop3A_148, %parallel_loop3A_59 : vector<16xi32>
      %parallel_loop3A_150 = arith.constant 128 : i32
      %parallel_loop3A_151 = vector.broadcast %parallel_loop3A_150 : i32 to vector<16xi32>
      %parallel_loop3A_152 = arith.addi %parallel_loop3A_151, %parallel_loop3A_149 : vector<16xi32>
      %parallel_loop3A_153 = arith.addi %parallel_loop3A_152, %parallel_loop3A_63 : vector<16xi32>
      %parallel_loop3A_154 = arith.constant 128 : i32
      %parallel_loop3A_155 = vector.broadcast %parallel_loop3A_154 : i32 to vector<16xi32>
      %parallel_loop3A_156 = arith.muli %parallel_loop3A_153, %parallel_loop3A_155 : vector<16xi32>
      %parallel_loop3A_157 = arith.constant 8 : i32
      %parallel_loop3A_158 = vector.broadcast %parallel_loop3A_157 : i32 to vector<16xi32>
      %parallel_loop3A_159 = arith.muli %parallel_loop3A_158, %parallel_loop3A_67 : vector<16xi32>
      %parallel_loop3A_160 = arith.constant 192 : i32
      %parallel_loop3A_161 = vector.broadcast %parallel_loop3A_160 : i32 to vector<16xi32>
      %parallel_loop3A_162 = arith.addi %parallel_loop3A_161, %parallel_loop3A_159 : vector<16xi32>
      %parallel_loop3A_163 = arith.addi %parallel_loop3A_162, %parallel_loop3A_71 : vector<16xi32>
      %parallel_loop3A_164 = arith.constant 128 : i32
      %parallel_loop3A_165 = vector.broadcast %parallel_loop3A_164 : i32 to vector<16xi32>
      %parallel_loop3A_166 = arith.muli %parallel_loop3A_163, %parallel_loop3A_165 : vector<16xi32>
      %parallel_loop3A_167 = arith.constant 8 : i32
      %parallel_loop3A_168 = vector.broadcast %parallel_loop3A_167 : i32 to vector<16xi32>
      %parallel_loop3A_169 = arith.muli %parallel_loop3A_168, %parallel_loop3A_75 : vector<16xi32>
      %parallel_loop3A_170 = arith.constant 256 : i32
      %parallel_loop3A_171 = vector.broadcast %parallel_loop3A_170 : i32 to vector<16xi32>
      %parallel_loop3A_172 = arith.addi %parallel_loop3A_171, %parallel_loop3A_169 : vector<16xi32>
      %parallel_loop3A_173 = arith.addi %parallel_loop3A_172, %parallel_loop3A_79 : vector<16xi32>
      %parallel_loop3A_174 = arith.constant 128 : i32
      %parallel_loop3A_175 = vector.broadcast %parallel_loop3A_174 : i32 to vector<16xi32>
      %parallel_loop3A_176 = arith.muli %parallel_loop3A_173, %parallel_loop3A_175 : vector<16xi32>
      %parallel_loop3A_177 = arith.constant 8 : i32
      %parallel_loop3A_178 = vector.broadcast %parallel_loop3A_177 : i32 to vector<16xi32>
      %parallel_loop3A_179 = arith.muli %parallel_loop3A_178, %parallel_loop3A_83 : vector<16xi32>
      %parallel_loop3A_180 = arith.constant 320 : i32
      %parallel_loop3A_181 = vector.broadcast %parallel_loop3A_180 : i32 to vector<16xi32>
      %parallel_loop3A_182 = arith.addi %parallel_loop3A_181, %parallel_loop3A_179 : vector<16xi32>
      %parallel_loop3A_183 = arith.addi %parallel_loop3A_182, %parallel_loop3A_87 : vector<16xi32>
      %parallel_loop3A_184 = arith.constant 128 : i32
      %parallel_loop3A_185 = vector.broadcast %parallel_loop3A_184 : i32 to vector<16xi32>
      %parallel_loop3A_186 = arith.muli %parallel_loop3A_183, %parallel_loop3A_185 : vector<16xi32>
      %parallel_loop3A_187 = arith.constant 8 : i32
      %parallel_loop3A_188 = vector.broadcast %parallel_loop3A_187 : i32 to vector<16xi32>
      %parallel_loop3A_189 = arith.muli %parallel_loop3A_188, %parallel_loop3A_91 : vector<16xi32>
      %parallel_loop3A_190 = arith.constant 384 : i32
      %parallel_loop3A_191 = vector.broadcast %parallel_loop3A_190 : i32 to vector<16xi32>
      %parallel_loop3A_192 = arith.addi %parallel_loop3A_191, %parallel_loop3A_189 : vector<16xi32>
      %parallel_loop3A_193 = arith.addi %parallel_loop3A_192, %parallel_loop3A_95 : vector<16xi32>
      %parallel_loop3A_194 = arith.constant 128 : i32
      %parallel_loop3A_195 = vector.broadcast %parallel_loop3A_194 : i32 to vector<16xi32>
      %parallel_loop3A_196 = arith.muli %parallel_loop3A_193, %parallel_loop3A_195 : vector<16xi32>
      %parallel_loop3A_197 = arith.constant 8 : i32
      %parallel_loop3A_198 = vector.broadcast %parallel_loop3A_197 : i32 to vector<16xi32>
      %parallel_loop3A_199 = arith.muli %parallel_loop3A_198, %parallel_loop3A_99 : vector<16xi32>
      %parallel_loop3A_200 = arith.constant 448 : i32
      %parallel_loop3A_201 = vector.broadcast %parallel_loop3A_200 : i32 to vector<16xi32>
      %parallel_loop3A_202 = arith.addi %parallel_loop3A_201, %parallel_loop3A_199 : vector<16xi32>
      %parallel_loop3A_203 = arith.addi %parallel_loop3A_202, %parallel_loop3A_103 : vector<16xi32>
      %parallel_loop3A_204 = arith.constant 128 : i32
      %parallel_loop3A_205 = vector.broadcast %parallel_loop3A_204 : i32 to vector<16xi32>
      %parallel_loop3A_206 = arith.muli %parallel_loop3A_203, %parallel_loop3A_205 : vector<16xi32>
      %parallel_loop3A_207 = arith.constant 8 : i32
      %parallel_loop3A_208 = vector.broadcast %parallel_loop3A_207 : i32 to vector<16xi32>
      %parallel_loop3A_209 = arith.muli %parallel_loop3A_208, %parallel_loop3A_107 : vector<16xi32>
      %parallel_loop3A_210 = arith.constant 512 : i32
      %parallel_loop3A_211 = vector.broadcast %parallel_loop3A_210 : i32 to vector<16xi32>
      %parallel_loop3A_212 = arith.addi %parallel_loop3A_211, %parallel_loop3A_209 : vector<16xi32>
      %parallel_loop3A_213 = arith.addi %parallel_loop3A_212, %parallel_loop3A_111 : vector<16xi32>
      %parallel_loop3A_214 = arith.constant 128 : i32
      %parallel_loop3A_215 = vector.broadcast %parallel_loop3A_214 : i32 to vector<16xi32>
      %parallel_loop3A_216 = arith.muli %parallel_loop3A_213, %parallel_loop3A_215 : vector<16xi32>
      %parallel_loop3A_217 = arith.constant 8 : i32
      %parallel_loop3A_218 = vector.broadcast %parallel_loop3A_217 : i32 to vector<16xi32>
      %parallel_loop3A_219 = arith.muli %parallel_loop3A_218, %parallel_loop3A_115 : vector<16xi32>
      %parallel_loop3A_220 = arith.constant 576 : i32
      %parallel_loop3A_221 = vector.broadcast %parallel_loop3A_220 : i32 to vector<16xi32>
      %parallel_loop3A_222 = arith.addi %parallel_loop3A_221, %parallel_loop3A_219 : vector<16xi32>
      %parallel_loop3A_223 = arith.addi %parallel_loop3A_222, %parallel_loop3A_119 : vector<16xi32>
      %parallel_loop3A_224 = arith.constant 128 : i32
      %parallel_loop3A_225 = vector.broadcast %parallel_loop3A_224 : i32 to vector<16xi32>
      %parallel_loop3A_226 = arith.muli %parallel_loop3A_223, %parallel_loop3A_225 : vector<16xi32>
      %parallel_loop3A_227 = arith.constant 640 : i32
      %parallel_loop3A_228 = vector.broadcast %parallel_loop3A_227 : i32 to vector<16xi32>
      %parallel_loop3A_229 = arith.addi %parallel_loop3A_228, %parallel_loop3A_123 : vector<16xi32>
      %parallel_loop3A_230 = arith.constant 128 : i32
      %parallel_loop3A_231 = vector.broadcast %parallel_loop3A_230 : i32 to vector<16xi32>
      %parallel_loop3A_232 = arith.muli %parallel_loop3A_229, %parallel_loop3A_231 : vector<16xi32>
      %parallel_loop3A_233 = arith.constant 16 : i32
      %parallel_loop3A_234 = arith.muli %parallel_loop3A_28, %parallel_loop3A_233 : i32
      %parallel_loop3A_235 = vector.broadcast %parallel_loop3A_234 : i32 to vector<16xi32>
      %parallel_loop3A_236 = arith.addi %parallel_loop3A_235, %iota3A : vector<16xi32>
      %parallel_loop3A_237 = arith.constant 128 : i32
      %parallel_loop3A_238 = vector.broadcast %parallel_loop3A_237 : i32 to vector<16xi32>
      %parallel_loop3A_239 = arith.muli %parallel_loop3A_236, %parallel_loop3A_238 : vector<16xi32>
      %parallel_loop3A_240 = arith.constant 0 : i32
      %parallel_loop3A_241 = arith.constant 128 : i32
      %parallel_loop3A_242 = arith.constant 1 : i32
      scf.for %parallel_loop3A_243 = %parallel_loop3A_240 to %parallel_loop3A_241 step %parallel_loop3A_242  : i32 {
        %parallel_loop3A_244 = vector.broadcast %parallel_loop3A_243 : i32 to vector<16xi32>
        %parallel_loop3A_245 = arith.addi %parallel_loop3A_244, %iota3A : vector<16xi32>
        %parallel_loop3A_246 = arith.constant 127 : i32
        %parallel_loop3A_247 = vector.broadcast %parallel_loop3A_246 : i32 to vector<16xi32>
        %parallel_loop3A_248 = arith.andi %parallel_loop3A_245, %parallel_loop3A_247 : vector<16xi32>
        %parallel_loop3A_249 = arith.addi %parallel_loop3A_136, %parallel_loop3A_248 : vector<16xi32>
        %parallel_loop3A_250 = tpu.vector_load_idx %arg5[%parallel_loop3A_249] : memref<82944xf32, #tpu.memory_space<vmem>>[vector<16xi32>], vector<16xf32>,
        %parallel_loop3A_251 = arith.addi %parallel_loop3A_146, %parallel_loop3A_248 : vector<16xi32>
        %parallel_loop3A_252 = tpu.vector_load_idx %arg5[%parallel_loop3A_251] : memref<82944xf32, #tpu.memory_space<vmem>>[vector<16xi32>], vector<16xf32>,
        %parallel_loop3A_253 = arith.addi %parallel_loop3A_156, %parallel_loop3A_248 : vector<16xi32>
        %parallel_loop3A_254 = tpu.vector_load_idx %arg5[%parallel_loop3A_253] : memref<82944xf32, #tpu.memory_space<vmem>>[vector<16xi32>], vector<16xf32>,
        %parallel_loop3A_255 = arith.addi %parallel_loop3A_166, %parallel_loop3A_248 : vector<16xi32>
        %parallel_loop3A_256 = tpu.vector_load_idx %arg5[%parallel_loop3A_255] : memref<82944xf32, #tpu.memory_space<vmem>>[vector<16xi32>], vector<16xf32>,
        %parallel_loop3A_257 = arith.addi %parallel_loop3A_176, %parallel_loop3A_248 : vector<16xi32>
        %parallel_loop3A_258 = tpu.vector_load_idx %arg5[%parallel_loop3A_257] : memref<82944xf32, #tpu.memory_space<vmem>>[vector<16xi32>], vector<16xf32>,
        %parallel_loop3A_259 = arith.addi %parallel_loop3A_186, %parallel_loop3A_248 : vector<16xi32>
        %parallel_loop3A_260 = tpu.vector_load_idx %arg5[%parallel_loop3A_259] : memref<82944xf32, #tpu.memory_space<vmem>>[vector<16xi32>], vector<16xf32>,
        %parallel_loop3A_261 = arith.addi %parallel_loop3A_196, %parallel_loop3A_248 : vector<16xi32>
        %parallel_loop3A_262 = tpu.vector_load_idx %arg5[%parallel_loop3A_261] : memref<82944xf32, #tpu.memory_space<vmem>>[vector<16xi32>], vector<16xf32>,
        %parallel_loop3A_263 = arith.addi %parallel_loop3A_206, %parallel_loop3A_248 : vector<16xi32>
        %parallel_loop3A_264 = tpu.vector_load_idx %arg5[%parallel_loop3A_263] : memref<82944xf32, #tpu.memory_space<vmem>>[vector<16xi32>], vector<16xf32>,
        %parallel_loop3A_265 = arith.addi %parallel_loop3A_216, %parallel_loop3A_248 : vector<16xi32>
        %parallel_loop3A_266 = tpu.vector_load_idx %arg5[%parallel_loop3A_265] : memref<82944xf32, #tpu.memory_space<vmem>>[vector<16xi32>], vector<16xf32>,
        %parallel_loop3A_267 = arith.addi %parallel_loop3A_226, %parallel_loop3A_248 : vector<16xi32>
        %parallel_loop3A_268 = tpu.vector_load_idx %arg5[%parallel_loop3A_267] : memref<82944xf32, #tpu.memory_space<vmem>>[vector<16xi32>], vector<16xf32>,
        %parallel_loop3A_269 = arith.addi %parallel_loop3A_232, %parallel_loop3A_248 : vector<16xi32>
        %parallel_loop3A_270 = tpu.vector_load_idx %arg5[%parallel_loop3A_269] : memref<82944xf32, #tpu.memory_space<vmem>>[vector<16xi32>], vector<16xf32>,
        %parallel_loop3A_271 = arith.addf %parallel_loop3A_250, %parallel_loop3A_252 : vector<16xf32>
        %parallel_loop3A_272 = arith.addf %parallel_loop3A_254, %parallel_loop3A_256 : vector<16xf32>
        %parallel_loop3A_273 = arith.addf %parallel_loop3A_271, %parallel_loop3A_272 : vector<16xf32>
        %parallel_loop3A_274 = arith.addf %parallel_loop3A_258, %parallel_loop3A_260 : vector<16xf32>
        %parallel_loop3A_275 = arith.addf %parallel_loop3A_262, %parallel_loop3A_264 : vector<16xf32>
        %parallel_loop3A_276 = arith.addf %parallel_loop3A_274, %parallel_loop3A_275 : vector<16xf32>
        %parallel_loop3A_277 = arith.addf %parallel_loop3A_273, %parallel_loop3A_276 : vector<16xf32>
        %parallel_loop3A_278 = arith.addf %parallel_loop3A_266, %parallel_loop3A_268 : vector<16xf32>
        %parallel_loop3A_279 = arith.addf %parallel_loop3A_278, %parallel_loop3A_270 : vector<16xf32>
        %parallel_loop3A_280 = arith.addf %parallel_loop3A_277, %parallel_loop3A_279 : vector<16xf32>
        %parallel_loop3A_281 = arith.addi %parallel_loop3A_239, %parallel_loop3A_248 : vector<16xi32>
        %parallel_loop3A_282 = arith.constant 0.000000e+00 : f32
        %parallel_loop3A_283 = vector.broadcast %parallel_loop3A_282 : f32 to vector<16xf32>
        %parallel_loop3A_284 = arith.select %parallel_loop3A_126, %parallel_loop3A_280, %parallel_loop3A_283 : vector<16xi1>, vector<16xf32>
        tpu.vector_store_idx %arg7[%parallel_loop3A_281], %parallel_loop3A_284 : memref<16384xf32, #tpu.memory_space<vmem>>[vector<16xi32>], vector<16xf32>,
      } {sc.loop_unroll_factor = 1 : i64, sc.parallel_access}
    } {sc.loop_unroll_factor = 1 : i64, sc.parallel_access}
    %add3A_9 = arith.constant 0 : i32
    %add3A_10 = arith.addi %mul3A_2, %add3A_9 : i32
    %mul3A_11 = arith.constant 128 : i32
    %mul3A_12 = arith.muli %add3A_10, %mul3A_11 : i32
    %dma_start3A_13 = tpu.memref_slice %arg4[%mul3A_12] : memref<1048576xf32, #tpu.memory_space<hbm>> -> memref<16384xf32, #tpu.memory_space<hbm>>
    %dma_start3A_14 = tpu.memref_slice %arg4[%mul3A_12] : memref<1048576xf32, #tpu.memory_space<hbm>> -> memref<16384xf32, #tpu.memory_space<hbm>>
    tpu.enqueue_dma source(%arg7 : memref<16384xf32, #tpu.memory_space<vmem>>) target(%dma_start3A_14 : memref<16384xf32, #tpu.memory_space<hbm>>) target_semaphore(%arg9 : memref<!tpu.dma_semaphore, #tpu.memory_space<semaphore_mem>>)
    %parallel_loop3A_15 = arith.constant 0 : i32
    %parallel_loop3A_16 = arith.constant 8 : i32
    %parallel_loop3A_17 = arith.constant 1 : i32
    scf.for %parallel_loop3A_28 = %parallel_loop3A_15 to %parallel_loop3A_16 step %parallel_loop3A_17  : i32 {
      %parallel_loop3A_29 = arith.constant 16 : i32
      %parallel_loop3A_30 = arith.muli %parallel_loop3A_28, %parallel_loop3A_29 : i32
      %parallel_loop3A_31 = arith.constant 128 : i32
      %parallel_loop3A_32 = arith.addi %parallel_loop3A_30, %parallel_loop3A_31 : i32
      %parallel_loop3A_33 = arith.constant 21 : i32
      %parallel_loop3A_34 = arith.muli %parallel_loop3A_32, %parallel_loop3A_33 : i32
      %parallel_loop3A_35 = arith.constant 21 : i32
      %parallel_loop3A_36 = vector.broadcast %parallel_loop3A_35 : i32 to vector<16xi32>
      %parallel_loop3A_37 = arith.muli %iota3A, %parallel_loop3A_36 : vector<16xi32>
      %parallel_loop3A_38 = vector.broadcast %parallel_loop3A_34 : i32 to vector<16xi32>
      %parallel_loop3A_39 = arith.addi %parallel_loop3A_37, %parallel_loop3A_38 : vector<16xi32>
      %parallel_loop3A_40 = arith.constant 0 : i32
      %parallel_loop3A_41 = vector.broadcast %parallel_loop3A_40 : i32 to vector<16xi32>
      %parallel_loop3A_42 = arith.addi %parallel_loop3A_39, %parallel_loop3A_41 : vector<16xi32>
      %parallel_loop3A_43 = tpu.vector_load_idx %arg6[%parallel_loop3A_42] : memref<5376xi32, #tpu.memory_space<vmem>>[vector<16xi32>], vector<16xi32>,
      %parallel_loop3A_44 = arith.constant 1 : i32
      %parallel_loop3A_45 = vector.broadcast %parallel_loop3A_44 : i32 to vector<16xi32>
      %parallel_loop3A_46 = arith.addi %parallel_loop3A_39, %parallel_loop3A_45 : vector<16xi32>
      %parallel_loop3A_47 = tpu.vector_load_idx %arg6[%parallel_loop3A_46] : memref<5376xi32, #tpu.memory_space<vmem>>[vector<16xi32>], vector<16xi32>,
      %parallel_loop3A_48 = arith.constant 2 : i32
      %parallel_loop3A_49 = vector.broadcast %parallel_loop3A_48 : i32 to vector<16xi32>
      %parallel_loop3A_50 = arith.addi %parallel_loop3A_39, %parallel_loop3A_49 : vector<16xi32>
      %parallel_loop3A_51 = tpu.vector_load_idx %arg6[%parallel_loop3A_50] : memref<5376xi32, #tpu.memory_space<vmem>>[vector<16xi32>], vector<16xi32>,
      %parallel_loop3A_52 = arith.constant 3 : i32
      %parallel_loop3A_53 = vector.broadcast %parallel_loop3A_52 : i32 to vector<16xi32>
      %parallel_loop3A_54 = arith.addi %parallel_loop3A_39, %parallel_loop3A_53 : vector<16xi32>
      %parallel_loop3A_55 = tpu.vector_load_idx %arg6[%parallel_loop3A_54] : memref<5376xi32, #tpu.memory_space<vmem>>[vector<16xi32>], vector<16xi32>,
      %parallel_loop3A_56 = arith.constant 4 : i32
      %parallel_loop3A_57 = vector.broadcast %parallel_loop3A_56 : i32 to vector<16xi32>
      %parallel_loop3A_58 = arith.addi %parallel_loop3A_39, %parallel_loop3A_57 : vector<16xi32>
      %parallel_loop3A_59 = tpu.vector_load_idx %arg6[%parallel_loop3A_58] : memref<5376xi32, #tpu.memory_space<vmem>>[vector<16xi32>], vector<16xi32>,
      %parallel_loop3A_60 = arith.constant 5 : i32
      %parallel_loop3A_61 = vector.broadcast %parallel_loop3A_60 : i32 to vector<16xi32>
      %parallel_loop3A_62 = arith.addi %parallel_loop3A_39, %parallel_loop3A_61 : vector<16xi32>
      %parallel_loop3A_63 = tpu.vector_load_idx %arg6[%parallel_loop3A_62] : memref<5376xi32, #tpu.memory_space<vmem>>[vector<16xi32>], vector<16xi32>,
      %parallel_loop3A_64 = arith.constant 6 : i32
      %parallel_loop3A_65 = vector.broadcast %parallel_loop3A_64 : i32 to vector<16xi32>
      %parallel_loop3A_66 = arith.addi %parallel_loop3A_39, %parallel_loop3A_65 : vector<16xi32>
      %parallel_loop3A_67 = tpu.vector_load_idx %arg6[%parallel_loop3A_66] : memref<5376xi32, #tpu.memory_space<vmem>>[vector<16xi32>], vector<16xi32>,
      %parallel_loop3A_68 = arith.constant 7 : i32
      %parallel_loop3A_69 = vector.broadcast %parallel_loop3A_68 : i32 to vector<16xi32>
      %parallel_loop3A_70 = arith.addi %parallel_loop3A_39, %parallel_loop3A_69 : vector<16xi32>
      %parallel_loop3A_71 = tpu.vector_load_idx %arg6[%parallel_loop3A_70] : memref<5376xi32, #tpu.memory_space<vmem>>[vector<16xi32>], vector<16xi32>,
      %parallel_loop3A_72 = arith.constant 8 : i32
      %parallel_loop3A_73 = vector.broadcast %parallel_loop3A_72 : i32 to vector<16xi32>
      %parallel_loop3A_74 = arith.addi %parallel_loop3A_39, %parallel_loop3A_73 : vector<16xi32>
      %parallel_loop3A_75 = tpu.vector_load_idx %arg6[%parallel_loop3A_74] : memref<5376xi32, #tpu.memory_space<vmem>>[vector<16xi32>], vector<16xi32>,
      %parallel_loop3A_76 = arith.constant 9 : i32
      %parallel_loop3A_77 = vector.broadcast %parallel_loop3A_76 : i32 to vector<16xi32>
      %parallel_loop3A_78 = arith.addi %parallel_loop3A_39, %parallel_loop3A_77 : vector<16xi32>
      %parallel_loop3A_79 = tpu.vector_load_idx %arg6[%parallel_loop3A_78] : memref<5376xi32, #tpu.memory_space<vmem>>[vector<16xi32>], vector<16xi32>,
      %parallel_loop3A_80 = arith.constant 10 : i32
      %parallel_loop3A_81 = vector.broadcast %parallel_loop3A_80 : i32 to vector<16xi32>
      %parallel_loop3A_82 = arith.addi %parallel_loop3A_39, %parallel_loop3A_81 : vector<16xi32>
      %parallel_loop3A_83 = tpu.vector_load_idx %arg6[%parallel_loop3A_82] : memref<5376xi32, #tpu.memory_space<vmem>>[vector<16xi32>], vector<16xi32>,
      %parallel_loop3A_84 = arith.constant 11 : i32
      %parallel_loop3A_85 = vector.broadcast %parallel_loop3A_84 : i32 to vector<16xi32>
      %parallel_loop3A_86 = arith.addi %parallel_loop3A_39, %parallel_loop3A_85 : vector<16xi32>
      %parallel_loop3A_87 = tpu.vector_load_idx %arg6[%parallel_loop3A_86] : memref<5376xi32, #tpu.memory_space<vmem>>[vector<16xi32>], vector<16xi32>,
      %parallel_loop3A_88 = arith.constant 12 : i32
      %parallel_loop3A_89 = vector.broadcast %parallel_loop3A_88 : i32 to vector<16xi32>
      %parallel_loop3A_90 = arith.addi %parallel_loop3A_39, %parallel_loop3A_89 : vector<16xi32>
      %parallel_loop3A_91 = tpu.vector_load_idx %arg6[%parallel_loop3A_90] : memref<5376xi32, #tpu.memory_space<vmem>>[vector<16xi32>], vector<16xi32>,
      %parallel_loop3A_92 = arith.constant 13 : i32
      %parallel_loop3A_93 = vector.broadcast %parallel_loop3A_92 : i32 to vector<16xi32>
      %parallel_loop3A_94 = arith.addi %parallel_loop3A_39, %parallel_loop3A_93 : vector<16xi32>
      %parallel_loop3A_95 = tpu.vector_load_idx %arg6[%parallel_loop3A_94] : memref<5376xi32, #tpu.memory_space<vmem>>[vector<16xi32>], vector<16xi32>,
      %parallel_loop3A_96 = arith.constant 14 : i32
      %parallel_loop3A_97 = vector.broadcast %parallel_loop3A_96 : i32 to vector<16xi32>
      %parallel_loop3A_98 = arith.addi %parallel_loop3A_39, %parallel_loop3A_97 : vector<16xi32>
      %parallel_loop3A_99 = tpu.vector_load_idx %arg6[%parallel_loop3A_98] : memref<5376xi32, #tpu.memory_space<vmem>>[vector<16xi32>], vector<16xi32>,
      %parallel_loop3A_100 = arith.constant 15 : i32
      %parallel_loop3A_101 = vector.broadcast %parallel_loop3A_100 : i32 to vector<16xi32>
      %parallel_loop3A_102 = arith.addi %parallel_loop3A_39, %parallel_loop3A_101 : vector<16xi32>
      %parallel_loop3A_103 = tpu.vector_load_idx %arg6[%parallel_loop3A_102] : memref<5376xi32, #tpu.memory_space<vmem>>[vector<16xi32>], vector<16xi32>,
      %parallel_loop3A_104 = arith.constant 16 : i32
      %parallel_loop3A_105 = vector.broadcast %parallel_loop3A_104 : i32 to vector<16xi32>
      %parallel_loop3A_106 = arith.addi %parallel_loop3A_39, %parallel_loop3A_105 : vector<16xi32>
      %parallel_loop3A_107 = tpu.vector_load_idx %arg6[%parallel_loop3A_106] : memref<5376xi32, #tpu.memory_space<vmem>>[vector<16xi32>], vector<16xi32>,
      %parallel_loop3A_108 = arith.constant 17 : i32
      %parallel_loop3A_109 = vector.broadcast %parallel_loop3A_108 : i32 to vector<16xi32>
      %parallel_loop3A_110 = arith.addi %parallel_loop3A_39, %parallel_loop3A_109 : vector<16xi32>
      %parallel_loop3A_111 = tpu.vector_load_idx %arg6[%parallel_loop3A_110] : memref<5376xi32, #tpu.memory_space<vmem>>[vector<16xi32>], vector<16xi32>,
      %parallel_loop3A_112 = arith.constant 18 : i32
      %parallel_loop3A_113 = vector.broadcast %parallel_loop3A_112 : i32 to vector<16xi32>
      %parallel_loop3A_114 = arith.addi %parallel_loop3A_39, %parallel_loop3A_113 : vector<16xi32>
      %parallel_loop3A_115 = tpu.vector_load_idx %arg6[%parallel_loop3A_114] : memref<5376xi32, #tpu.memory_space<vmem>>[vector<16xi32>], vector<16xi32>,
      %parallel_loop3A_116 = arith.constant 19 : i32
      %parallel_loop3A_117 = vector.broadcast %parallel_loop3A_116 : i32 to vector<16xi32>
      %parallel_loop3A_118 = arith.addi %parallel_loop3A_39, %parallel_loop3A_117 : vector<16xi32>
      %parallel_loop3A_119 = tpu.vector_load_idx %arg6[%parallel_loop3A_118] : memref<5376xi32, #tpu.memory_space<vmem>>[vector<16xi32>], vector<16xi32>,
      %parallel_loop3A_120 = arith.constant 20 : i32
      %parallel_loop3A_121 = vector.broadcast %parallel_loop3A_120 : i32 to vector<16xi32>
      %parallel_loop3A_122 = arith.addi %parallel_loop3A_39, %parallel_loop3A_121 : vector<16xi32>
      %parallel_loop3A_123 = tpu.vector_load_idx %arg6[%parallel_loop3A_122] : memref<5376xi32, #tpu.memory_space<vmem>>[vector<16xi32>], vector<16xi32>,
      %parallel_loop3A_124 = arith.constant 0 : i32
      %parallel_loop3A_125 = vector.broadcast %parallel_loop3A_124 : i32 to vector<16xi32>
      %parallel_loop3A_126 = arith.cmpi ne, %parallel_loop3A_79, %parallel_loop3A_125 : vector<16xi32>
      %parallel_loop3A_127 = arith.constant 8 : i32
      %parallel_loop3A_128 = vector.broadcast %parallel_loop3A_127 : i32 to vector<16xi32>
      %parallel_loop3A_129 = arith.muli %parallel_loop3A_128, %parallel_loop3A_43 : vector<16xi32>
      %parallel_loop3A_130 = arith.constant 0 : i32
      %parallel_loop3A_131 = vector.broadcast %parallel_loop3A_130 : i32 to vector<16xi32>
      %parallel_loop3A_132 = arith.addi %parallel_loop3A_131, %parallel_loop3A_129 : vector<16xi32>
      %parallel_loop3A_133 = arith.addi %parallel_loop3A_132, %parallel_loop3A_47 : vector<16xi32>
      %parallel_loop3A_134 = arith.constant 128 : i32
      %parallel_loop3A_135 = vector.broadcast %parallel_loop3A_134 : i32 to vector<16xi32>
      %parallel_loop3A_136 = arith.muli %parallel_loop3A_133, %parallel_loop3A_135 : vector<16xi32>
      %parallel_loop3A_137 = arith.constant 8 : i32
      %parallel_loop3A_138 = vector.broadcast %parallel_loop3A_137 : i32 to vector<16xi32>
      %parallel_loop3A_139 = arith.muli %parallel_loop3A_138, %parallel_loop3A_51 : vector<16xi32>
      %parallel_loop3A_140 = arith.constant 64 : i32
      %parallel_loop3A_141 = vector.broadcast %parallel_loop3A_140 : i32 to vector<16xi32>
      %parallel_loop3A_142 = arith.addi %parallel_loop3A_141, %parallel_loop3A_139 : vector<16xi32>
      %parallel_loop3A_143 = arith.addi %parallel_loop3A_142, %parallel_loop3A_55 : vector<16xi32>
      %parallel_loop3A_144 = arith.constant 128 : i32
      %parallel_loop3A_145 = vector.broadcast %parallel_loop3A_144 : i32 to vector<16xi32>
      %parallel_loop3A_146 = arith.muli %parallel_loop3A_143, %parallel_loop3A_145 : vector<16xi32>
      %parallel_loop3A_147 = arith.constant 8 : i32
      %parallel_loop3A_148 = vector.broadcast %parallel_loop3A_147 : i32 to vector<16xi32>
      %parallel_loop3A_149 = arith.muli %parallel_loop3A_148, %parallel_loop3A_59 : vector<16xi32>
      %parallel_loop3A_150 = arith.constant 128 : i32
      %parallel_loop3A_151 = vector.broadcast %parallel_loop3A_150 : i32 to vector<16xi32>
      %parallel_loop3A_152 = arith.addi %parallel_loop3A_151, %parallel_loop3A_149 : vector<16xi32>
      %parallel_loop3A_153 = arith.addi %parallel_loop3A_152, %parallel_loop3A_63 : vector<16xi32>
      %parallel_loop3A_154 = arith.constant 128 : i32
      %parallel_loop3A_155 = vector.broadcast %parallel_loop3A_154 : i32 to vector<16xi32>
      %parallel_loop3A_156 = arith.muli %parallel_loop3A_153, %parallel_loop3A_155 : vector<16xi32>
      %parallel_loop3A_157 = arith.constant 8 : i32
      %parallel_loop3A_158 = vector.broadcast %parallel_loop3A_157 : i32 to vector<16xi32>
      %parallel_loop3A_159 = arith.muli %parallel_loop3A_158, %parallel_loop3A_67 : vector<16xi32>
      %parallel_loop3A_160 = arith.constant 192 : i32
      %parallel_loop3A_161 = vector.broadcast %parallel_loop3A_160 : i32 to vector<16xi32>
      %parallel_loop3A_162 = arith.addi %parallel_loop3A_161, %parallel_loop3A_159 : vector<16xi32>
      %parallel_loop3A_163 = arith.addi %parallel_loop3A_162, %parallel_loop3A_71 : vector<16xi32>
      %parallel_loop3A_164 = arith.constant 128 : i32
      %parallel_loop3A_165 = vector.broadcast %parallel_loop3A_164 : i32 to vector<16xi32>
      %parallel_loop3A_166 = arith.muli %parallel_loop3A_163, %parallel_loop3A_165 : vector<16xi32>
      %parallel_loop3A_167 = arith.constant 8 : i32
      %parallel_loop3A_168 = vector.broadcast %parallel_loop3A_167 : i32 to vector<16xi32>
      %parallel_loop3A_169 = arith.muli %parallel_loop3A_168, %parallel_loop3A_75 : vector<16xi32>
      %parallel_loop3A_170 = arith.constant 256 : i32
      %parallel_loop3A_171 = vector.broadcast %parallel_loop3A_170 : i32 to vector<16xi32>
      %parallel_loop3A_172 = arith.addi %parallel_loop3A_171, %parallel_loop3A_169 : vector<16xi32>
      %parallel_loop3A_173 = arith.addi %parallel_loop3A_172, %parallel_loop3A_79 : vector<16xi32>
      %parallel_loop3A_174 = arith.constant 128 : i32
      %parallel_loop3A_175 = vector.broadcast %parallel_loop3A_174 : i32 to vector<16xi32>
      %parallel_loop3A_176 = arith.muli %parallel_loop3A_173, %parallel_loop3A_175 : vector<16xi32>
      %parallel_loop3A_177 = arith.constant 8 : i32
      %parallel_loop3A_178 = vector.broadcast %parallel_loop3A_177 : i32 to vector<16xi32>
      %parallel_loop3A_179 = arith.muli %parallel_loop3A_178, %parallel_loop3A_83 : vector<16xi32>
      %parallel_loop3A_180 = arith.constant 320 : i32
      %parallel_loop3A_181 = vector.broadcast %parallel_loop3A_180 : i32 to vector<16xi32>
      %parallel_loop3A_182 = arith.addi %parallel_loop3A_181, %parallel_loop3A_179 : vector<16xi32>
      %parallel_loop3A_183 = arith.addi %parallel_loop3A_182, %parallel_loop3A_87 : vector<16xi32>
      %parallel_loop3A_184 = arith.constant 128 : i32
      %parallel_loop3A_185 = vector.broadcast %parallel_loop3A_184 : i32 to vector<16xi32>
      %parallel_loop3A_186 = arith.muli %parallel_loop3A_183, %parallel_loop3A_185 : vector<16xi32>
      %parallel_loop3A_187 = arith.constant 8 : i32
      %parallel_loop3A_188 = vector.broadcast %parallel_loop3A_187 : i32 to vector<16xi32>
      %parallel_loop3A_189 = arith.muli %parallel_loop3A_188, %parallel_loop3A_91 : vector<16xi32>
      %parallel_loop3A_190 = arith.constant 384 : i32
      %parallel_loop3A_191 = vector.broadcast %parallel_loop3A_190 : i32 to vector<16xi32>
      %parallel_loop3A_192 = arith.addi %parallel_loop3A_191, %parallel_loop3A_189 : vector<16xi32>
      %parallel_loop3A_193 = arith.addi %parallel_loop3A_192, %parallel_loop3A_95 : vector<16xi32>
      %parallel_loop3A_194 = arith.constant 128 : i32
      %parallel_loop3A_195 = vector.broadcast %parallel_loop3A_194 : i32 to vector<16xi32>
      %parallel_loop3A_196 = arith.muli %parallel_loop3A_193, %parallel_loop3A_195 : vector<16xi32>
      %parallel_loop3A_197 = arith.constant 8 : i32
      %parallel_loop3A_198 = vector.broadcast %parallel_loop3A_197 : i32 to vector<16xi32>
      %parallel_loop3A_199 = arith.muli %parallel_loop3A_198, %parallel_loop3A_99 : vector<16xi32>
      %parallel_loop3A_200 = arith.constant 448 : i32
      %parallel_loop3A_201 = vector.broadcast %parallel_loop3A_200 : i32 to vector<16xi32>
      %parallel_loop3A_202 = arith.addi %parallel_loop3A_201, %parallel_loop3A_199 : vector<16xi32>
      %parallel_loop3A_203 = arith.addi %parallel_loop3A_202, %parallel_loop3A_103 : vector<16xi32>
      %parallel_loop3A_204 = arith.constant 128 : i32
      %parallel_loop3A_205 = vector.broadcast %parallel_loop3A_204 : i32 to vector<16xi32>
      %parallel_loop3A_206 = arith.muli %parallel_loop3A_203, %parallel_loop3A_205 : vector<16xi32>
      %parallel_loop3A_207 = arith.constant 8 : i32
      %parallel_loop3A_208 = vector.broadcast %parallel_loop3A_207 : i32 to vector<16xi32>
      %parallel_loop3A_209 = arith.muli %parallel_loop3A_208, %parallel_loop3A_107 : vector<16xi32>
      %parallel_loop3A_210 = arith.constant 512 : i32
      %parallel_loop3A_211 = vector.broadcast %parallel_loop3A_210 : i32 to vector<16xi32>
      %parallel_loop3A_212 = arith.addi %parallel_loop3A_211, %parallel_loop3A_209 : vector<16xi32>
      %parallel_loop3A_213 = arith.addi %parallel_loop3A_212, %parallel_loop3A_111 : vector<16xi32>
      %parallel_loop3A_214 = arith.constant 128 : i32
      %parallel_loop3A_215 = vector.broadcast %parallel_loop3A_214 : i32 to vector<16xi32>
      %parallel_loop3A_216 = arith.muli %parallel_loop3A_213, %parallel_loop3A_215 : vector<16xi32>
      %parallel_loop3A_217 = arith.constant 8 : i32
      %parallel_loop3A_218 = vector.broadcast %parallel_loop3A_217 : i32 to vector<16xi32>
      %parallel_loop3A_219 = arith.muli %parallel_loop3A_218, %parallel_loop3A_115 : vector<16xi32>
      %parallel_loop3A_220 = arith.constant 576 : i32
      %parallel_loop3A_221 = vector.broadcast %parallel_loop3A_220 : i32 to vector<16xi32>
      %parallel_loop3A_222 = arith.addi %parallel_loop3A_221, %parallel_loop3A_219 : vector<16xi32>
      %parallel_loop3A_223 = arith.addi %parallel_loop3A_222, %parallel_loop3A_119 : vector<16xi32>
      %parallel_loop3A_224 = arith.constant 128 : i32
      %parallel_loop3A_225 = vector.broadcast %parallel_loop3A_224 : i32 to vector<16xi32>
      %parallel_loop3A_226 = arith.muli %parallel_loop3A_223, %parallel_loop3A_225 : vector<16xi32>
      %parallel_loop3A_227 = arith.constant 640 : i32
      %parallel_loop3A_228 = vector.broadcast %parallel_loop3A_227 : i32 to vector<16xi32>
      %parallel_loop3A_229 = arith.addi %parallel_loop3A_228, %parallel_loop3A_123 : vector<16xi32>
      %parallel_loop3A_230 = arith.constant 128 : i32
      %parallel_loop3A_231 = vector.broadcast %parallel_loop3A_230 : i32 to vector<16xi32>
      %parallel_loop3A_232 = arith.muli %parallel_loop3A_229, %parallel_loop3A_231 : vector<16xi32>
      %parallel_loop3A_233 = arith.constant 16 : i32
      %parallel_loop3A_234 = arith.muli %parallel_loop3A_28, %parallel_loop3A_233 : i32
      %parallel_loop3A_235 = vector.broadcast %parallel_loop3A_234 : i32 to vector<16xi32>
      %parallel_loop3A_236 = arith.addi %parallel_loop3A_235, %iota3A : vector<16xi32>
      %parallel_loop3A_237 = arith.constant 128 : i32
      %parallel_loop3A_238 = vector.broadcast %parallel_loop3A_237 : i32 to vector<16xi32>
      %parallel_loop3A_239 = arith.muli %parallel_loop3A_236, %parallel_loop3A_238 : vector<16xi32>
      %parallel_loop3A_240 = arith.constant 0 : i32
      %parallel_loop3A_241 = arith.constant 128 : i32
      %parallel_loop3A_242 = arith.constant 1 : i32
      scf.for %parallel_loop3A_243 = %parallel_loop3A_240 to %parallel_loop3A_241 step %parallel_loop3A_242  : i32 {
        %parallel_loop3A_244 = vector.broadcast %parallel_loop3A_243 : i32 to vector<16xi32>
        %parallel_loop3A_245 = arith.addi %parallel_loop3A_244, %iota3A : vector<16xi32>
        %parallel_loop3A_246 = arith.constant 127 : i32
        %parallel_loop3A_247 = vector.broadcast %parallel_loop3A_246 : i32 to vector<16xi32>
        %parallel_loop3A_248 = arith.andi %parallel_loop3A_245, %parallel_loop3A_247 : vector<16xi32>
        %parallel_loop3A_249 = arith.addi %parallel_loop3A_136, %parallel_loop3A_248 : vector<16xi32>
        %parallel_loop3A_250 = tpu.vector_load_idx %arg5[%parallel_loop3A_249] : memref<82944xf32, #tpu.memory_space<vmem>>[vector<16xi32>], vector<16xf32>,
        %parallel_loop3A_251 = arith.addi %parallel_loop3A_146, %parallel_loop3A_248 : vector<16xi32>
        %parallel_loop3A_252 = tpu.vector_load_idx %arg5[%parallel_loop3A_251] : memref<82944xf32, #tpu.memory_space<vmem>>[vector<16xi32>], vector<16xf32>,
        %parallel_loop3A_253 = arith.addi %parallel_loop3A_156, %parallel_loop3A_248 : vector<16xi32>
        %parallel_loop3A_254 = tpu.vector_load_idx %arg5[%parallel_loop3A_253] : memref<82944xf32, #tpu.memory_space<vmem>>[vector<16xi32>], vector<16xf32>,
        %parallel_loop3A_255 = arith.addi %parallel_loop3A_166, %parallel_loop3A_248 : vector<16xi32>
        %parallel_loop3A_256 = tpu.vector_load_idx %arg5[%parallel_loop3A_255] : memref<82944xf32, #tpu.memory_space<vmem>>[vector<16xi32>], vector<16xf32>,
        %parallel_loop3A_257 = arith.addi %parallel_loop3A_176, %parallel_loop3A_248 : vector<16xi32>
        %parallel_loop3A_258 = tpu.vector_load_idx %arg5[%parallel_loop3A_257] : memref<82944xf32, #tpu.memory_space<vmem>>[vector<16xi32>], vector<16xf32>,
        %parallel_loop3A_259 = arith.addi %parallel_loop3A_186, %parallel_loop3A_248 : vector<16xi32>
        %parallel_loop3A_260 = tpu.vector_load_idx %arg5[%parallel_loop3A_259] : memref<82944xf32, #tpu.memory_space<vmem>>[vector<16xi32>], vector<16xf32>,
        %parallel_loop3A_261 = arith.addi %parallel_loop3A_196, %parallel_loop3A_248 : vector<16xi32>
        %parallel_loop3A_262 = tpu.vector_load_idx %arg5[%parallel_loop3A_261] : memref<82944xf32, #tpu.memory_space<vmem>>[vector<16xi32>], vector<16xf32>,
        %parallel_loop3A_263 = arith.addi %parallel_loop3A_206, %parallel_loop3A_248 : vector<16xi32>
        %parallel_loop3A_264 = tpu.vector_load_idx %arg5[%parallel_loop3A_263] : memref<82944xf32, #tpu.memory_space<vmem>>[vector<16xi32>], vector<16xf32>,
        %parallel_loop3A_265 = arith.addi %parallel_loop3A_216, %parallel_loop3A_248 : vector<16xi32>
        %parallel_loop3A_266 = tpu.vector_load_idx %arg5[%parallel_loop3A_265] : memref<82944xf32, #tpu.memory_space<vmem>>[vector<16xi32>], vector<16xf32>,
        %parallel_loop3A_267 = arith.addi %parallel_loop3A_226, %parallel_loop3A_248 : vector<16xi32>
        %parallel_loop3A_268 = tpu.vector_load_idx %arg5[%parallel_loop3A_267] : memref<82944xf32, #tpu.memory_space<vmem>>[vector<16xi32>], vector<16xf32>,
        %parallel_loop3A_269 = arith.addi %parallel_loop3A_232, %parallel_loop3A_248 : vector<16xi32>
        %parallel_loop3A_270 = tpu.vector_load_idx %arg5[%parallel_loop3A_269] : memref<82944xf32, #tpu.memory_space<vmem>>[vector<16xi32>], vector<16xf32>,
        %parallel_loop3A_271 = arith.addf %parallel_loop3A_250, %parallel_loop3A_252 : vector<16xf32>
        %parallel_loop3A_272 = arith.addf %parallel_loop3A_254, %parallel_loop3A_256 : vector<16xf32>
        %parallel_loop3A_273 = arith.addf %parallel_loop3A_271, %parallel_loop3A_272 : vector<16xf32>
        %parallel_loop3A_274 = arith.addf %parallel_loop3A_258, %parallel_loop3A_260 : vector<16xf32>
        %parallel_loop3A_275 = arith.addf %parallel_loop3A_262, %parallel_loop3A_264 : vector<16xf32>
        %parallel_loop3A_276 = arith.addf %parallel_loop3A_274, %parallel_loop3A_275 : vector<16xf32>
        %parallel_loop3A_277 = arith.addf %parallel_loop3A_273, %parallel_loop3A_276 : vector<16xf32>
        %parallel_loop3A_278 = arith.addf %parallel_loop3A_266, %parallel_loop3A_268 : vector<16xf32>
        %parallel_loop3A_279 = arith.addf %parallel_loop3A_278, %parallel_loop3A_270 : vector<16xf32>
        %parallel_loop3A_280 = arith.addf %parallel_loop3A_277, %parallel_loop3A_279 : vector<16xf32>
        %parallel_loop3A_281 = arith.addi %parallel_loop3A_239, %parallel_loop3A_248 : vector<16xi32>
        %parallel_loop3A_282 = arith.constant 0.000000e+00 : f32
        %parallel_loop3A_283 = vector.broadcast %parallel_loop3A_282 : f32 to vector<16xf32>
        %parallel_loop3A_284 = arith.select %parallel_loop3A_126, %parallel_loop3A_280, %parallel_loop3A_283 : vector<16xi1>, vector<16xf32>
        tpu.vector_store_idx %arg8[%parallel_loop3A_281], %parallel_loop3A_284 : memref<16384xf32, #tpu.memory_space<vmem>>[vector<16xi32>], vector<16xf32>,
      } {sc.loop_unroll_factor = 1 : i64, sc.parallel_access}
    } {sc.loop_unroll_factor = 1 : i64, sc.parallel_access}
    %add3A_18 = arith.constant 128 : i32
    %add3A_19 = arith.addi %mul3A_2, %add3A_18 : i32
    %mul3A_20 = arith.constant 128 : i32
    %mul3A_21 = arith.muli %add3A_19, %mul3A_20 : i32
    %dma_start3A_22 = tpu.memref_slice %arg4[%mul3A_21] : memref<1048576xf32, #tpu.memory_space<hbm>> -> memref<16384xf32, #tpu.memory_space<hbm>>
    %dma_start3A_23 = tpu.memref_slice %arg4[%mul3A_21] : memref<1048576xf32, #tpu.memory_space<hbm>> -> memref<16384xf32, #tpu.memory_space<hbm>>
    tpu.enqueue_dma source(%arg8 : memref<16384xf32, #tpu.memory_space<vmem>>) target(%dma_start3A_23 : memref<16384xf32, #tpu.memory_space<hbm>>) target_semaphore(%arg10 : memref<!tpu.dma_semaphore, #tpu.memory_space<semaphore_mem>>)
    %dma_wait3A_24 = tpu.memref_slice %arg4[%mul3A_12] : memref<1048576xf32, #tpu.memory_space<hbm>> -> memref<16384xf32, #tpu.memory_space<hbm>>
    %dma_wait3A_25 = tpu.memref_slice %arg4[%mul3A_12] : memref<1048576xf32, #tpu.memory_space<hbm>> -> memref<16384xf32, #tpu.memory_space<hbm>>
    tpu.wait_dma2 semaphore(%arg9 : memref<!tpu.dma_semaphore, #tpu.memory_space<semaphore_mem>>) src(%arg7 : memref<16384xf32, #tpu.memory_space<vmem>>) dst(%dma_wait3A_25 : memref<16384xf32, #tpu.memory_space<hbm>>)
    %dma_wait3A_26 = tpu.memref_slice %arg4[%mul3A_21] : memref<1048576xf32, #tpu.memory_space<hbm>> -> memref<16384xf32, #tpu.memory_space<hbm>>
    %dma_wait3A_27 = tpu.memref_slice %arg4[%mul3A_21] : memref<1048576xf32, #tpu.memory_space<hbm>> -> memref<16384xf32, #tpu.memory_space<hbm>>
    tpu.wait_dma2 semaphore(%arg10 : memref<!tpu.dma_semaphore, #tpu.memory_space<semaphore_mem>>) src(%arg8 : memref<16384xf32, #tpu.memory_space<vmem>>) dst(%dma_wait3A_27 : memref<16384xf32, #tpu.memory_space<hbm>>)
    return
  }
}

module attributes {stable_mosaic.version = 14 : i64} {
  func.func @_tc_encode_body(%arg0: i32, %arg1: memref<512x21xi32, #tpu.memory_space<vmem>>, %arg2: memref<168x128xf32, #tpu.memory_space<vmem>>, %arg3: memref<512x128xf32, #tpu.memory_space<vmem>>) attributes {dimension_semantics = [#tpu.dimension_semantics<arbitrary>], iteration_bounds = array<i64: 16>, scalar_prefetch = 0 : i64, scratch_operands = 0 : i64, tpu.core_type = #tpu.core_type<tc>, window_params = [{transform_indices = @transform_0, window_bounds = array<i64: 512, 21>}, {pipeline_mode = #tpu.pipeline_mode<synchronous>, transform_indices = @transform_1, window_bounds = array<i64: 168, 128>}, {transform_indices = @transform_2, window_bounds = array<i64: 512, 128>}]} {
    %get3A = arith.constant 0 : index
    %get3A_0 = arith.constant 0 : index
    %get3A_1 = vector.load %arg1[%get3A, %get3A_0] : memref<512x21xi32, #tpu.memory_space<vmem>>, vector<512x21xi32>
    %convert_element_type3A = arith.sitofp %get3A_1 : vector<512x21xi32> to vector<512x21xf32>
    %iota3A = tpu.iota {dimensions = array<i32: 0>} : vector<21x168xi32>
    %iota3A_2 = tpu.iota {dimensions = array<i32: 1>} : vector<21x168xi32>
    %jit3A = arith.constant 8 : i32
    %div3A = vector.broadcast %jit3A : i32 to vector<21x168xi32>
    %div3A_3 = arith.divsi %iota3A_2, %div3A : vector<21x168xi32>
    %sign3A = arith.constant 0 : i32
    %sign3A_4 = vector.broadcast %sign3A : i32 to vector<21x168xi32>
    %sign3A_5 = arith.cmpi sgt, %iota3A_2, %sign3A_4 : vector<21x168xi32>
    %sign3A_6 = arith.extui %sign3A_5 : vector<21x168xi1> to vector<21x168xi32>
    %sign3A_7 = arith.constant 0 : i32
    %sign3A_8 = vector.broadcast %sign3A_7 : i32 to vector<21x168xi32>
    %sign3A_9 = arith.cmpi slt, %iota3A_2, %sign3A_8 : vector<21x168xi32>
    %sign3A_10 = arith.extui %sign3A_9 : vector<21x168xi1> to vector<21x168xi32>
    %sign3A_11 = arith.subi %sign3A_6, %sign3A_10 : vector<21x168xi32>
    %sign3A_12 = arith.constant 0 : i32
    %sign3A_13 = arith.cmpi sgt, %jit3A, %sign3A_12 : i32
    %sign3A_14 = arith.extui %sign3A_13 : i1 to i32
    %sign3A_15 = arith.constant 0 : i32
    %sign3A_16 = arith.cmpi slt, %jit3A, %sign3A_15 : i32
    %sign3A_17 = arith.extui %sign3A_16 : i1 to i32
    %sign3A_18 = arith.subi %sign3A_14, %sign3A_17 : i32
    %ne3A = vector.broadcast %sign3A_18 : i32 to vector<21x168xi32>
    %ne3A_19 = arith.cmpi ne, %sign3A_11, %ne3A : vector<21x168xi32>
    %rem3A = vector.broadcast %jit3A : i32 to vector<21x168xi32>
    %rem3A_20 = arith.remsi %iota3A_2, %rem3A : vector<21x168xi32>
    %ne3A_21 = arith.constant 0 : i32
    %ne3A_22 = vector.broadcast %ne3A_21 : i32 to vector<21x168xi32>
    %ne3A_23 = arith.cmpi ne, %rem3A_20, %ne3A_22 : vector<21x168xi32>
    %and3A = arith.andi %ne3A_19, %ne3A_23 : vector<21x168xi1>
    %sub3A = arith.constant 1 : i32
    %sub3A_24 = vector.broadcast %sub3A : i32 to vector<21x168xi32>
    %sub3A_25 = arith.subi %div3A_3, %sub3A_24 : vector<21x168xi32>
    %select_n3A = arith.select %and3A, %sub3A_25, %div3A_3 : vector<21x168xi1>, vector<21x168xi32>
    %eq3A = arith.cmpi eq, %select_n3A, %iota3A : vector<21x168xi32>
    %convert_element_type3A_26 = arith.extui %eq3A : vector<21x168xi1> to vector<21x168xi32>
    %convert_element_type3A_27 = arith.sitofp %convert_element_type3A_26 : vector<21x168xi32> to vector<21x168xf32>
    %dot_general3A = arith.constant dense<0.000000e+00> : vector<512x168xf32>
    %dot_general3A_28 = tpu.matmul %convert_element_type3A, %convert_element_type3A_27, %dot_general3A {dimension_numbers = #tpu.dot_dimension_numbers<[1], [0], [0], [1], [0, 0, 1, 1], [], []>, transpose_lhs_hint = false} : vector<512x21xf32>, vector<21x168xf32>, vector<512x168xf32> -> vector<512x168xf32>
    %iota3A_29 = tpu.iota {dimensions = array<i32: 1>} : vector<1x168xi32>
    %and3A_30 = arith.constant 7 : i32
    %and3A_31 = vector.broadcast %and3A_30 : i32 to vector<1x168xi32>
    %and3A_32 = arith.andi %iota3A_29, %and3A_31 : vector<1x168xi32>
    %convert_element_type3A_33 = arith.sitofp %and3A_32 : vector<1x168xi32> to vector<1x168xf32>
    %sub3A_34 = vector.broadcast %convert_element_type3A_33 : vector<1x168xf32> to vector<512x168xf32>
    %sub3A_35 = arith.subf %dot_general3A_28, %sub3A_34 : vector<512x168xf32>
    %abs3A = math.absf %sub3A_35 : vector<512x168xf32>
    %lt3A = arith.constant 5.000000e-01 : f32
    %lt3A_36 = vector.broadcast %lt3A : f32 to vector<512x168xf32>
    %lt3A_37 = arith.cmpf olt, %abs3A, %lt3A_36 : vector<512x168xf32>
    %convert_element_type3A_38 = arith.extui %lt3A_37 : vector<512x168xi1> to vector<512x168xi32>
    %convert_element_type3A_39 = arith.sitofp %convert_element_type3A_38 : vector<512x168xi32> to vector<512x168xf32>
    %get3A_40 = arith.constant 0 : index
    %get3A_41 = arith.constant 0 : index
    %get3A_42 = vector.load %arg2[%get3A_40, %get3A_41] : memref<168x128xf32, #tpu.memory_space<vmem>>, vector<168x128xf32>
    %dot_general3A_43 = arith.constant dense<0.000000e+00> : vector<512x128xf32>
    %dot_general3A_44 = tpu.matmul %convert_element_type3A_39, %get3A_42, %dot_general3A_43 {dimension_numbers = #tpu.dot_dimension_numbers<[1], [0], [0], [1], [0, 0, 1, 1], [], []>, transpose_lhs_hint = false} : vector<512x168xf32>, vector<168x128xf32>, vector<512x128xf32> -> vector<512x128xf32>
    %slice3A = vector.extract_strided_slice %get3A_1 {offsets = [0, 9], sizes = [512, 1], strides = [1, 1]} : vector<512x21xi32> to vector<512x1xi32>
    %ne3A_45 = arith.constant 0 : i32
    %ne3A_46 = vector.broadcast %ne3A_45 : i32 to vector<512x1xi32>
    %ne3A_47 = arith.cmpi ne, %slice3A, %ne3A_46 : vector<512x1xi32>
    %jit3A_48 = arith.constant 0.000000e+00 : f32
    %broadcast_in_dim3A = vector.shape_cast %ne3A_47 : vector<512x1xi1> to vector<512x1xi1>
    %broadcast_in_dim3A_49 = vector.broadcast %broadcast_in_dim3A : vector<512x1xi1> to vector<512x128xi1>
    %broadcast_in_dim3A_50 = vector.broadcast %jit3A_48 : f32 to vector<512x128xf32>
    %select_n3A_51 = arith.select %broadcast_in_dim3A_49, %dot_general3A_44, %broadcast_in_dim3A_50 : vector<512x128xi1>, vector<512x128xf32>
    %swap3A = arith.constant 0 : index
    %swap3A_52 = arith.constant 0 : index
    %swap3A_53 = vector.load %arg3[%swap3A, %swap3A_52] : memref<512x128xf32, #tpu.memory_space<vmem>>, vector<512x128xf32>
    tpu.vector_store %arg3[%swap3A, %swap3A_52], %select_n3A_51 {strides = array<i32>} : memref<512x128xf32, #tpu.memory_space<vmem>>, vector<512x128xf32>,
    return
  }
  func.func @transform_0(%arg0: i32) -> (i32, i32) {
    %c0_i32 = arith.constant 0 : i32
    %c0_i32_0 = arith.constant 0 : i32
    return %arg0, %c0_i32 : i32, i32
  }
  func.func @transform_1(%arg0: i32) -> (i32, i32) {
    %c0_i32 = arith.constant 0 : i32
    %c0_i32_0 = arith.constant 0 : i32
    %c0_i32_1 = arith.constant 0 : i32
    return %c0_i32, %c0_i32_0 : i32, i32
  }
  func.func @transform_2(%arg0: i32) -> (i32, i32) {
    %c0_i32 = arith.constant 0 : i32
    %c0_i32_0 = arith.constant 0 : i32
    return %arg0, %c0_i32 : i32, i32
  }
}

module attributes {stable_mosaic.version = 14 : i64} {
  func.func @_tpair_body(%arg0: memref<8x128xf32, #tpu.memory_space<vmem>>, %arg1: memref<128x128xf32, #tpu.memory_space<vmem>>, %arg2: memref<128x128xf32, #tpu.memory_space<vmem>>, %arg3: memref<64x128xf32, #tpu.memory_space<vmem>>, %arg4: memref<16x128xf32, #tpu.memory_space<vmem>>, %arg5: memref<8x128xf32, #tpu.memory_space<vmem>>, %arg6: memref<104x128xf32, #tpu.memory_space<vmem>>, %arg7: memref<16x128xf32, #tpu.memory_space<vmem>>, %arg8: memref<648x128xf32, #tpu.memory_space<vmem>>, %arg9: memref<168x128xf32, #tpu.memory_space<vmem>>) attributes {dimension_semantics = [], scalar_prefetch = 0 : i64, scratch_operands = 0 : i64, tpu.core_type = #tpu.core_type<tc>} {
    %iota3A = tpu.iota {dimensions = array<i32: 0>} : vector<8x3xi32>
    %iota3A_0 = tpu.iota {dimensions = array<i32: 1>} : vector<8x3xi32>
    %shift_right_arithmetic3A = arith.shrsi %iota3A, %iota3A_0 : vector<8x3xi32>
    %and3A = arith.constant 1 : i32
    %and3A_1 = vector.broadcast %and3A : i32 to vector<8x3xi32>
    %and3A_2 = arith.andi %shift_right_arithmetic3A, %and3A_1 : vector<8x3xi32>
    %convert_element_type3A = arith.sitofp %and3A_2 : vector<8x3xi32> to vector<8x3xf32>
    %iota3A_3 = tpu.iota {dimensions = array<i32: 0>} : vector<8x1xi32>
    %convert_element_type3A_4 = arith.sitofp %iota3A_3 : vector<8x1xi32> to vector<8x1xf32>
    %get3A = arith.constant 0 : index
    %get3A_5 = arith.constant 0 : index
    %get3A_6 = vector.load %arg0[%get3A, %get3A_5] : memref<8x128xf32, #tpu.memory_space<vmem>>, vector<8x128xf32>
    %get3A_7 = arith.constant 0 : index
    %get3A_8 = arith.constant 0 : index
    %get3A_9 = vector.load %arg1[%get3A_7, %get3A_8] : memref<128x128xf32, #tpu.memory_space<vmem>>, vector<128x128xf32>
    %dot_general3A = arith.constant dense<0.000000e+00> : vector<8x128xf32>
    %dot_general3A_10 = tpu.matmul %get3A_6, %get3A_9, %dot_general3A {dimension_numbers = #tpu.dot_dimension_numbers<[1], [0], [0], [1], [0, 0, 1, 1], [], []>, transpose_lhs_hint = false} : vector<8x128xf32>, vector<128x128xf32>, vector<8x128xf32> -> vector<8x128xf32>
    %get3A_11 = arith.constant 0 : index
    %get3A_12 = arith.constant 0 : index
    %get3A_13 = vector.load %arg0[%get3A_11, %get3A_12] : memref<8x128xf32, #tpu.memory_space<vmem>>, vector<8x128xf32>
    %get3A_14 = arith.constant 0 : index
    %get3A_15 = arith.constant 0 : index
    %get3A_16 = vector.load %arg2[%get3A_14, %get3A_15] : memref<128x128xf32, #tpu.memory_space<vmem>>, vector<128x128xf32>
    %dot_general3A_17 = arith.constant dense<0.000000e+00> : vector<8x128xf32>
    %dot_general3A_18 = tpu.matmul %get3A_13, %get3A_16, %dot_general3A_17 {dimension_numbers = #tpu.dot_dimension_numbers<[1], [0], [0], [1], [0, 0, 1, 1], [], []>, transpose_lhs_hint = false} : vector<8x128xf32>, vector<128x128xf32>, vector<8x128xf32> -> vector<8x128xf32>
    %get3A_19 = arith.constant 0 : index
    %get3A_20 = arith.constant 0 : index
    %get3A_21 = vector.load %arg3[%get3A_19, %get3A_20] : memref<64x128xf32, #tpu.memory_space<vmem>>, vector<8x128xf32>
    %get3A_22 = arith.constant 8 : index
    %get3A_23 = arith.constant 0 : index
    %get3A_24 = vector.load %arg3[%get3A_22, %get3A_23] : memref<64x128xf32, #tpu.memory_space<vmem>>, vector<8x128xf32>
    %get3A_25 = arith.constant 16 : index
    %get3A_26 = arith.constant 0 : index
    %get3A_27 = vector.load %arg3[%get3A_25, %get3A_26] : memref<64x128xf32, #tpu.memory_space<vmem>>, vector<8x128xf32>
    %get3A_28 = arith.constant 24 : index
    %get3A_29 = arith.constant 0 : index
    %get3A_30 = vector.load %arg3[%get3A_28, %get3A_29] : memref<64x128xf32, #tpu.memory_space<vmem>>, vector<8x128xf32>
    %get3A_31 = arith.constant 32 : index
    %get3A_32 = arith.constant 0 : index
    %get3A_33 = vector.load %arg3[%get3A_31, %get3A_32] : memref<64x128xf32, #tpu.memory_space<vmem>>, vector<8x128xf32>
    %get3A_34 = arith.constant 40 : index
    %get3A_35 = arith.constant 0 : index
    %get3A_36 = vector.load %arg3[%get3A_34, %get3A_35] : memref<64x128xf32, #tpu.memory_space<vmem>>, vector<8x128xf32>
    %get3A_37 = arith.constant 48 : index
    %get3A_38 = arith.constant 0 : index
    %get3A_39 = vector.load %arg3[%get3A_37, %get3A_38] : memref<64x128xf32, #tpu.memory_space<vmem>>, vector<8x128xf32>
    %get3A_40 = arith.constant 56 : index
    %get3A_41 = arith.constant 0 : index
    %get3A_42 = vector.load %arg3[%get3A_40, %get3A_41] : memref<64x128xf32, #tpu.memory_space<vmem>>, vector<8x128xf32>
    %get3A_43 = arith.constant 0 : index
    %get3A_44 = arith.constant 0 : index
    %get3A_45 = vector.load %arg4[%get3A_43, %get3A_44] : memref<16x128xf32, #tpu.memory_space<vmem>>, vector<3x128xf32>
    %get3A_46 = arith.constant 3 : index
    %get3A_47 = arith.constant 0 : index
    %get3A_48 = vector.load %arg4[%get3A_46, %get3A_47] : memref<16x128xf32, #tpu.memory_space<vmem>>, vector<3x128xf32>
    %add3A = arith.addf %get3A_45, %get3A_48 : vector<3x128xf32>
    %dot_general3A_49 = arith.constant dense<0.000000e+00> : vector<8x128xf32>
    %dot_general3A_50 = tpu.matmul %convert_element_type3A, %add3A, %dot_general3A_49 {dimension_numbers = #tpu.dot_dimension_numbers<[1], [0], [0], [1], [0, 0, 1, 1], [], []>, transpose_lhs_hint = false} : vector<8x3xf32>, vector<3x128xf32>, vector<8x128xf32> -> vector<8x128xf32>
    %mul3A = arith.constant 9.77517105E-4 : f32
    %mul3A_51 = vector.broadcast %mul3A : f32 to vector<8x1xf32>
    %mul3A_52 = arith.mulf %convert_element_type3A_4, %mul3A_51 : vector<8x1xf32>
    %get3A_53 = arith.constant 0 : index
    %get3A_54 = arith.constant 0 : index
    %get3A_55 = vector.load %arg5[%get3A_53, %get3A_54] : memref<8x128xf32, #tpu.memory_space<vmem>>, vector<1x128xf32>
    %mul3A_56 = vector.broadcast %mul3A_52 : vector<8x1xf32> to vector<8x128xf32>
    %mul3A_57 = vector.broadcast %get3A_55 : vector<1x128xf32> to vector<8x128xf32>
    %mul3A_58 = arith.mulf %mul3A_56, %mul3A_57 : vector<8x128xf32>
    %add3A_59 = arith.addf %dot_general3A_50, %mul3A_58 : vector<8x128xf32>
    %get3A_60 = arith.constant 6 : index
    %get3A_61 = arith.constant 0 : index
    %get3A_62 = vector.load %arg4[%get3A_60, %get3A_61] : memref<16x128xf32, #tpu.memory_space<vmem>>, vector<3x128xf32>
    %dot_general3A_63 = arith.constant dense<0.000000e+00> : vector<8x128xf32>
    %dot_general3A_64 = tpu.matmul %convert_element_type3A, %get3A_62, %dot_general3A_63 {dimension_numbers = #tpu.dot_dimension_numbers<[1], [0], [0], [1], [0, 0, 1, 1], [], []>, transpose_lhs_hint = false} : vector<8x3xf32>, vector<3x128xf32>, vector<8x128xf32> -> vector<8x128xf32>
    %slice3A = vector.extract_strided_slice %convert_element_type3A {offsets = [0, 0], sizes = [8, 2], strides = [1, 1]} : vector<8x3xf32> to vector<8x2xf32>
    %get3A_65 = arith.constant 9 : index
    %get3A_66 = arith.constant 0 : index
    %get3A_67 = vector.load %arg4[%get3A_65, %get3A_66] : memref<16x128xf32, #tpu.memory_space<vmem>>, vector<2x128xf32>
    %dot_general3A_68 = arith.constant dense<0.000000e+00> : vector<8x128xf32>
    %dot_general3A_69 = tpu.matmul %slice3A, %get3A_67, %dot_general3A_68 {dimension_numbers = #tpu.dot_dimension_numbers<[1], [0], [0], [1], [0, 0, 1, 1], [], []>, transpose_lhs_hint = false} : vector<8x2xf32>, vector<2x128xf32>, vector<8x128xf32> -> vector<8x128xf32>
    %get3A_70 = arith.constant 0 : index
    %get3A_71 = arith.constant 0 : index
    %get3A_72 = vector.load %arg7[%get3A_70, %get3A_71] : memref<16x128xf32, #tpu.memory_space<vmem>>, vector<16x128xf32>
    %reduce_sum3A = arith.constant dense<0.000000e+00> : vector<128xf32>
    %reduce_sum3A_73 = vector.multi_reduction <add>, %get3A_72, %reduce_sum3A [0] : vector<16x128xf32> to vector<128xf32>
    %broadcast_in_dim3A = vector.shape_cast %reduce_sum3A_73 : vector<128xf32> to vector<1x128xf32>
    %get3A_74 = arith.constant 0 : index
    %get3A_75 = arith.constant 0 : index
    %get3A_76 = vector.load %arg6[%get3A_74, %get3A_75] : memref<104x128xf32, #tpu.memory_space<vmem>>, vector<8x128xf32>
    %add3A_77 = vector.broadcast %broadcast_in_dim3A : vector<1x128xf32> to vector<8x128xf32>
    %add3A_78 = arith.addf %get3A_76, %add3A_77 : vector<8x128xf32>
    %iota3A_79 = tpu.iota {dimensions = array<i32: 0>} : vector<8x1xi32>
    %lt3A = arith.constant 7 : i32
    %lt3A_80 = vector.broadcast %lt3A : i32 to vector<8x1xi32>
    %lt3A_81 = arith.cmpi slt, %iota3A_79, %lt3A_80 : vector<8x1xi32>
    %get3A_82 = arith.constant 14 : index
    %get3A_83 = arith.constant 0 : index
    %get3A_84 = vector.load %arg6[%get3A_82, %get3A_83] : memref<104x128xf32, #tpu.memory_space<vmem>>, vector<8x128xf32>
    %jit3A = arith.constant 0.000000e+00 : f32
    %broadcast_in_dim3A_85 = vector.shape_cast %lt3A_81 : vector<8x1xi1> to vector<8x1xi1>
    %broadcast_in_dim3A_86 = vector.broadcast %broadcast_in_dim3A_85 : vector<8x1xi1> to vector<8x128xi1>
    %broadcast_in_dim3A_87 = vector.broadcast %jit3A : f32 to vector<8x128xf32>
    %select_n3A = arith.select %broadcast_in_dim3A_86, %get3A_84, %broadcast_in_dim3A_87 : vector<8x128xi1>, vector<8x128xf32>
    %mul3A_88 = arith.constant 5.000000e-01 : f32
    %mul3A_89 = vector.broadcast %mul3A_88 : f32 to vector<8x1xf32>
    %mul3A_90 = arith.mulf %mul3A_89, %convert_element_type3A_4 : vector<8x1xf32>
    %get3A_91 = arith.constant 1 : index
    %get3A_92 = arith.constant 0 : index
    %get3A_93 = vector.load %arg5[%get3A_91, %get3A_92] : memref<8x128xf32, #tpu.memory_space<vmem>>, vector<1x128xf32>
    %mul3A_94 = vector.broadcast %mul3A_90 : vector<8x1xf32> to vector<8x128xf32>
    %mul3A_95 = vector.broadcast %get3A_93 : vector<1x128xf32> to vector<8x128xf32>
    %mul3A_96 = arith.mulf %mul3A_94, %mul3A_95 : vector<8x128xf32>
    %add3A_97 = arith.addf %mul3A_96, %select_n3A : vector<8x128xf32>
    %lt3A_98 = arith.constant 7 : i32
    %lt3A_99 = vector.broadcast %lt3A_98 : i32 to vector<8x1xi32>
    %lt3A_100 = arith.cmpi slt, %iota3A_79, %lt3A_99 : vector<8x1xi32>
    %get3A_101 = arith.constant 27 : index
    %get3A_102 = arith.constant 0 : index
    %get3A_103 = vector.load %arg6[%get3A_101, %get3A_102] : memref<104x128xf32, #tpu.memory_space<vmem>>, vector<8x128xf32>
    %jit3A_104 = arith.constant 0.000000e+00 : f32
    %broadcast_in_dim3A_105 = vector.shape_cast %lt3A_100 : vector<8x1xi1> to vector<8x1xi1>
    %broadcast_in_dim3A_106 = vector.broadcast %broadcast_in_dim3A_105 : vector<8x1xi1> to vector<8x128xi1>
    %broadcast_in_dim3A_107 = vector.broadcast %jit3A_104 : f32 to vector<8x128xf32>
    %select_n3A_108 = arith.select %broadcast_in_dim3A_106, %get3A_103, %broadcast_in_dim3A_107 : vector<8x128xi1>, vector<8x128xf32>
    %mul3A_109 = arith.constant 5.000000e-01 : f32
    %mul3A_110 = vector.broadcast %mul3A_109 : f32 to vector<8x1xf32>
    %mul3A_111 = arith.mulf %mul3A_110, %convert_element_type3A_4 : vector<8x1xf32>
    %get3A_112 = arith.constant 2 : index
    %get3A_113 = arith.constant 0 : index
    %get3A_114 = vector.load %arg5[%get3A_112, %get3A_113] : memref<8x128xf32, #tpu.memory_space<vmem>>, vector<1x128xf32>
    %mul3A_115 = vector.broadcast %mul3A_111 : vector<8x1xf32> to vector<8x128xf32>
    %mul3A_116 = vector.broadcast %get3A_114 : vector<1x128xf32> to vector<8x128xf32>
    %mul3A_117 = arith.mulf %mul3A_115, %mul3A_116 : vector<8x128xf32>
    %add3A_118 = arith.addf %mul3A_117, %select_n3A_108 : vector<8x128xf32>
    %lt3A_119 = arith.constant 7 : i32
    %lt3A_120 = vector.broadcast %lt3A_119 : i32 to vector<8x1xi32>
    %lt3A_121 = arith.cmpi slt, %iota3A_79, %lt3A_120 : vector<8x1xi32>
    %get3A_122 = arith.constant 40 : index
    %get3A_123 = arith.constant 0 : index
    %get3A_124 = vector.load %arg6[%get3A_122, %get3A_123] : memref<104x128xf32, #tpu.memory_space<vmem>>, vector<8x128xf32>
    %jit3A_125 = arith.constant 0.000000e+00 : f32
    %broadcast_in_dim3A_126 = vector.shape_cast %lt3A_121 : vector<8x1xi1> to vector<8x1xi1>
    %broadcast_in_dim3A_127 = vector.broadcast %broadcast_in_dim3A_126 : vector<8x1xi1> to vector<8x128xi1>
    %broadcast_in_dim3A_128 = vector.broadcast %jit3A_125 : f32 to vector<8x128xf32>
    %select_n3A_129 = arith.select %broadcast_in_dim3A_127, %get3A_124, %broadcast_in_dim3A_128 : vector<8x128xi1>, vector<8x128xf32>
    %mul3A_130 = arith.constant 5.000000e-01 : f32
    %mul3A_131 = vector.broadcast %mul3A_130 : f32 to vector<8x1xf32>
    %mul3A_132 = arith.mulf %mul3A_131, %convert_element_type3A_4 : vector<8x1xf32>
    %get3A_133 = arith.constant 3 : index
    %get3A_134 = arith.constant 0 : index
    %get3A_135 = vector.load %arg5[%get3A_133, %get3A_134] : memref<8x128xf32, #tpu.memory_space<vmem>>, vector<1x128xf32>
    %mul3A_136 = vector.broadcast %mul3A_132 : vector<8x1xf32> to vector<8x128xf32>
    %mul3A_137 = vector.broadcast %get3A_135 : vector<1x128xf32> to vector<8x128xf32>
    %mul3A_138 = arith.mulf %mul3A_136, %mul3A_137 : vector<8x128xf32>
    %add3A_139 = arith.addf %mul3A_138, %select_n3A_129 : vector<8x128xf32>
    %lt3A_140 = arith.constant 7 : i32
    %lt3A_141 = vector.broadcast %lt3A_140 : i32 to vector<8x1xi32>
    %lt3A_142 = arith.cmpi slt, %iota3A_79, %lt3A_141 : vector<8x1xi32>
    %get3A_143 = arith.constant 53 : index
    %get3A_144 = arith.constant 0 : index
    %get3A_145 = vector.load %arg6[%get3A_143, %get3A_144] : memref<104x128xf32, #tpu.memory_space<vmem>>, vector<8x128xf32>
    %jit3A_146 = arith.constant 0.000000e+00 : f32
    %broadcast_in_dim3A_147 = vector.shape_cast %lt3A_142 : vector<8x1xi1> to vector<8x1xi1>
    %broadcast_in_dim3A_148 = vector.broadcast %broadcast_in_dim3A_147 : vector<8x1xi1> to vector<8x128xi1>
    %broadcast_in_dim3A_149 = vector.broadcast %jit3A_146 : f32 to vector<8x128xf32>
    %select_n3A_150 = arith.select %broadcast_in_dim3A_148, %get3A_145, %broadcast_in_dim3A_149 : vector<8x128xi1>, vector<8x128xf32>
    %mul3A_151 = arith.constant 5.000000e-01 : f32
    %mul3A_152 = vector.broadcast %mul3A_151 : f32 to vector<8x1xf32>
    %mul3A_153 = arith.mulf %mul3A_152, %convert_element_type3A_4 : vector<8x1xf32>
    %get3A_154 = arith.constant 4 : index
    %get3A_155 = arith.constant 0 : index
    %get3A_156 = vector.load %arg5[%get3A_154, %get3A_155] : memref<8x128xf32, #tpu.memory_space<vmem>>, vector<1x128xf32>
    %mul3A_157 = vector.broadcast %mul3A_153 : vector<8x1xf32> to vector<8x128xf32>
    %mul3A_158 = vector.broadcast %get3A_156 : vector<1x128xf32> to vector<8x128xf32>
    %mul3A_159 = arith.mulf %mul3A_157, %mul3A_158 : vector<8x128xf32>
    %add3A_160 = arith.addf %mul3A_159, %select_n3A_150 : vector<8x128xf32>
    %lt3A_161 = arith.constant 7 : i32
    %lt3A_162 = vector.broadcast %lt3A_161 : i32 to vector<8x1xi32>
    %lt3A_163 = arith.cmpi slt, %iota3A_79, %lt3A_162 : vector<8x1xi32>
    %get3A_164 = arith.constant 66 : index
    %get3A_165 = arith.constant 0 : index
    %get3A_166 = vector.load %arg6[%get3A_164, %get3A_165] : memref<104x128xf32, #tpu.memory_space<vmem>>, vector<8x128xf32>
    %jit3A_167 = arith.constant 0.000000e+00 : f32
    %broadcast_in_dim3A_168 = vector.shape_cast %lt3A_163 : vector<8x1xi1> to vector<8x1xi1>
    %broadcast_in_dim3A_169 = vector.broadcast %broadcast_in_dim3A_168 : vector<8x1xi1> to vector<8x128xi1>
    %broadcast_in_dim3A_170 = vector.broadcast %jit3A_167 : f32 to vector<8x128xf32>
    %select_n3A_171 = arith.select %broadcast_in_dim3A_169, %get3A_166, %broadcast_in_dim3A_170 : vector<8x128xi1>, vector<8x128xf32>
    %mul3A_172 = arith.constant 5.000000e-01 : f32
    %mul3A_173 = vector.broadcast %mul3A_172 : f32 to vector<8x1xf32>
    %mul3A_174 = arith.mulf %mul3A_173, %convert_element_type3A_4 : vector<8x1xf32>
    %get3A_175 = arith.constant 5 : index
    %get3A_176 = arith.constant 0 : index
    %get3A_177 = vector.load %arg5[%get3A_175, %get3A_176] : memref<8x128xf32, #tpu.memory_space<vmem>>, vector<1x128xf32>
    %mul3A_178 = vector.broadcast %mul3A_174 : vector<8x1xf32> to vector<8x128xf32>
    %mul3A_179 = vector.broadcast %get3A_177 : vector<1x128xf32> to vector<8x128xf32>
    %mul3A_180 = arith.mulf %mul3A_178, %mul3A_179 : vector<8x128xf32>
    %add3A_181 = arith.addf %mul3A_180, %select_n3A_171 : vector<8x128xf32>
    %lt3A_182 = arith.constant 7 : i32
    %lt3A_183 = vector.broadcast %lt3A_182 : i32 to vector<8x1xi32>
    %lt3A_184 = arith.cmpi slt, %iota3A_79, %lt3A_183 : vector<8x1xi32>
    %get3A_185 = arith.constant 79 : index
    %get3A_186 = arith.constant 0 : index
    %get3A_187 = vector.load %arg6[%get3A_185, %get3A_186] : memref<104x128xf32, #tpu.memory_space<vmem>>, vector<8x128xf32>
    %jit3A_188 = arith.constant 0.000000e+00 : f32
    %broadcast_in_dim3A_189 = vector.shape_cast %lt3A_184 : vector<8x1xi1> to vector<8x1xi1>
    %broadcast_in_dim3A_190 = vector.broadcast %broadcast_in_dim3A_189 : vector<8x1xi1> to vector<8x128xi1>
    %broadcast_in_dim3A_191 = vector.broadcast %jit3A_188 : f32 to vector<8x128xf32>
    %select_n3A_192 = arith.select %broadcast_in_dim3A_190, %get3A_187, %broadcast_in_dim3A_191 : vector<8x128xi1>, vector<8x128xf32>
    %mul3A_193 = arith.constant 5.000000e-01 : f32
    %mul3A_194 = vector.broadcast %mul3A_193 : f32 to vector<8x1xf32>
    %mul3A_195 = arith.mulf %mul3A_194, %convert_element_type3A_4 : vector<8x1xf32>
    %get3A_196 = arith.constant 6 : index
    %get3A_197 = arith.constant 0 : index
    %get3A_198 = vector.load %arg5[%get3A_196, %get3A_197] : memref<8x128xf32, #tpu.memory_space<vmem>>, vector<1x128xf32>
    %mul3A_199 = vector.broadcast %mul3A_195 : vector<8x1xf32> to vector<8x128xf32>
    %mul3A_200 = vector.broadcast %get3A_198 : vector<1x128xf32> to vector<8x128xf32>
    %mul3A_201 = arith.mulf %mul3A_199, %mul3A_200 : vector<8x128xf32>
    %add3A_202 = arith.addf %mul3A_201, %select_n3A_192 : vector<8x128xf32>
    %lt3A_203 = arith.constant 7 : i32
    %lt3A_204 = vector.broadcast %lt3A_203 : i32 to vector<8x1xi32>
    %lt3A_205 = arith.cmpi slt, %iota3A_79, %lt3A_204 : vector<8x1xi32>
    %get3A_206 = arith.constant 92 : index
    %get3A_207 = arith.constant 0 : index
    %get3A_208 = vector.load %arg6[%get3A_206, %get3A_207] : memref<104x128xf32, #tpu.memory_space<vmem>>, vector<8x128xf32>
    %jit3A_209 = arith.constant 0.000000e+00 : f32
    %broadcast_in_dim3A_210 = vector.shape_cast %lt3A_205 : vector<8x1xi1> to vector<8x1xi1>
    %broadcast_in_dim3A_211 = vector.broadcast %broadcast_in_dim3A_210 : vector<8x1xi1> to vector<8x128xi1>
    %broadcast_in_dim3A_212 = vector.broadcast %jit3A_209 : f32 to vector<8x128xf32>
    %select_n3A_213 = arith.select %broadcast_in_dim3A_211, %get3A_208, %broadcast_in_dim3A_212 : vector<8x128xi1>, vector<8x128xf32>
    %mul3A_214 = arith.constant 5.000000e-01 : f32
    %mul3A_215 = vector.broadcast %mul3A_214 : f32 to vector<8x1xf32>
    %mul3A_216 = arith.mulf %mul3A_215, %convert_element_type3A_4 : vector<8x1xf32>
    %get3A_217 = arith.constant 7 : index
    %get3A_218 = arith.constant 0 : index
    %get3A_219 = vector.load %arg5[%get3A_217, %get3A_218] : memref<8x128xf32, #tpu.memory_space<vmem>>, vector<1x128xf32>
    %mul3A_220 = vector.broadcast %mul3A_216 : vector<8x1xf32> to vector<8x128xf32>
    %mul3A_221 = vector.broadcast %get3A_219 : vector<1x128xf32> to vector<8x128xf32>
    %mul3A_222 = arith.mulf %mul3A_220, %mul3A_221 : vector<8x128xf32>
    %add3A_223 = arith.addf %mul3A_222, %select_n3A_213 : vector<8x128xf32>
    %broadcast_in_dim3A_224 = vector.shape_cast %dot_general3A_10 : vector<8x128xf32> to vector<8x1x128xf32>
    %broadcast_in_dim3A_225 = vector.shape_cast %dot_general3A_18 : vector<8x128xf32> to vector<1x8x128xf32>
    %add3A_226 = vector.broadcast %broadcast_in_dim3A_224 : vector<8x1x128xf32> to vector<8x8x128xf32>
    %add3A_227 = vector.broadcast %broadcast_in_dim3A_225 : vector<1x8x128xf32> to vector<8x8x128xf32>
    %add3A_228 = arith.addf %add3A_226, %add3A_227 : vector<8x8x128xf32>
    %reshape3A = vector.shape_cast %add3A_228 : vector<8x8x128xf32> to vector<64x128xf32>
    %swap3A = arith.constant 0 : index
    %swap3A_229 = arith.constant 0 : index
    %swap3A_230 = vector.load %arg8[%swap3A, %swap3A_229] : memref<648x128xf32, #tpu.memory_space<vmem>>, vector<64x128xf32>
    tpu.vector_store %arg8[%swap3A, %swap3A_229], %reshape3A {strides = array<i32>} : memref<648x128xf32, #tpu.memory_space<vmem>>, vector<64x128xf32>,
    %broadcast_in_dim3A_231 = vector.shape_cast %get3A_21 : vector<8x128xf32> to vector<8x1x128xf32>
    %broadcast_in_dim3A_232 = vector.shape_cast %get3A_24 : vector<8x128xf32> to vector<1x8x128xf32>
    %add3A_233 = vector.broadcast %broadcast_in_dim3A_231 : vector<8x1x128xf32> to vector<8x8x128xf32>
    %add3A_234 = vector.broadcast %broadcast_in_dim3A_232 : vector<1x8x128xf32> to vector<8x8x128xf32>
    %add3A_235 = arith.addf %add3A_233, %add3A_234 : vector<8x8x128xf32>
    %reshape3A_236 = vector.shape_cast %add3A_235 : vector<8x8x128xf32> to vector<64x128xf32>
    %swap3A_237 = arith.constant 64 : index
    %swap3A_238 = arith.constant 0 : index
    %swap3A_239 = vector.load %arg8[%swap3A_237, %swap3A_238] : memref<648x128xf32, #tpu.memory_space<vmem>>, vector<64x128xf32>
    tpu.vector_store %arg8[%swap3A_237, %swap3A_238], %reshape3A_236 {strides = array<i32>} : memref<648x128xf32, #tpu.memory_space<vmem>>, vector<64x128xf32>,
    %broadcast_in_dim3A_240 = vector.shape_cast %get3A_27 : vector<8x128xf32> to vector<8x1x128xf32>
    %broadcast_in_dim3A_241 = vector.shape_cast %get3A_30 : vector<8x128xf32> to vector<1x8x128xf32>
    %add3A_242 = vector.broadcast %broadcast_in_dim3A_240 : vector<8x1x128xf32> to vector<8x8x128xf32>
    %add3A_243 = vector.broadcast %broadcast_in_dim3A_241 : vector<1x8x128xf32> to vector<8x8x128xf32>
    %add3A_244 = arith.addf %add3A_242, %add3A_243 : vector<8x8x128xf32>
    %reshape3A_245 = vector.shape_cast %add3A_244 : vector<8x8x128xf32> to vector<64x128xf32>
    %swap3A_246 = arith.constant 128 : index
    %swap3A_247 = arith.constant 0 : index
    %swap3A_248 = vector.load %arg8[%swap3A_246, %swap3A_247] : memref<648x128xf32, #tpu.memory_space<vmem>>, vector<64x128xf32>
    tpu.vector_store %arg8[%swap3A_246, %swap3A_247], %reshape3A_245 {strides = array<i32>} : memref<648x128xf32, #tpu.memory_space<vmem>>, vector<64x128xf32>,
    %broadcast_in_dim3A_249 = vector.shape_cast %get3A_33 : vector<8x128xf32> to vector<8x1x128xf32>
    %broadcast_in_dim3A_250 = vector.shape_cast %get3A_36 : vector<8x128xf32> to vector<1x8x128xf32>
    %add3A_251 = vector.broadcast %broadcast_in_dim3A_249 : vector<8x1x128xf32> to vector<8x8x128xf32>
    %add3A_252 = vector.broadcast %broadcast_in_dim3A_250 : vector<1x8x128xf32> to vector<8x8x128xf32>
    %add3A_253 = arith.addf %add3A_251, %add3A_252 : vector<8x8x128xf32>
    %reshape3A_254 = vector.shape_cast %add3A_253 : vector<8x8x128xf32> to vector<64x128xf32>
    %swap3A_255 = arith.constant 192 : index
    %swap3A_256 = arith.constant 0 : index
    %swap3A_257 = vector.load %arg8[%swap3A_255, %swap3A_256] : memref<648x128xf32, #tpu.memory_space<vmem>>, vector<64x128xf32>
    tpu.vector_store %arg8[%swap3A_255, %swap3A_256], %reshape3A_254 {strides = array<i32>} : memref<648x128xf32, #tpu.memory_space<vmem>>, vector<64x128xf32>,
    %broadcast_in_dim3A_258 = vector.shape_cast %get3A_39 : vector<8x128xf32> to vector<8x1x128xf32>
    %broadcast_in_dim3A_259 = vector.shape_cast %get3A_42 : vector<8x128xf32> to vector<1x8x128xf32>
    %add3A_260 = vector.broadcast %broadcast_in_dim3A_258 : vector<8x1x128xf32> to vector<8x8x128xf32>
    %add3A_261 = vector.broadcast %broadcast_in_dim3A_259 : vector<1x8x128xf32> to vector<8x8x128xf32>
    %add3A_262 = arith.addf %add3A_260, %add3A_261 : vector<8x8x128xf32>
    %reshape3A_263 = vector.shape_cast %add3A_262 : vector<8x8x128xf32> to vector<64x128xf32>
    %swap3A_264 = arith.constant 256 : index
    %swap3A_265 = arith.constant 0 : index
    %swap3A_266 = vector.load %arg8[%swap3A_264, %swap3A_265] : memref<648x128xf32, #tpu.memory_space<vmem>>, vector<64x128xf32>
    tpu.vector_store %arg8[%swap3A_264, %swap3A_265], %reshape3A_263 {strides = array<i32>} : memref<648x128xf32, #tpu.memory_space<vmem>>, vector<64x128xf32>,
    %broadcast_in_dim3A_267 = vector.shape_cast %add3A_59 : vector<8x128xf32> to vector<8x1x128xf32>
    %broadcast_in_dim3A_268 = vector.shape_cast %dot_general3A_64 : vector<8x128xf32> to vector<1x8x128xf32>
    %add3A_269 = vector.broadcast %broadcast_in_dim3A_267 : vector<8x1x128xf32> to vector<8x8x128xf32>
    %add3A_270 = vector.broadcast %broadcast_in_dim3A_268 : vector<1x8x128xf32> to vector<8x8x128xf32>
    %add3A_271 = arith.addf %add3A_269, %add3A_270 : vector<8x8x128xf32>
    %reshape3A_272 = vector.shape_cast %add3A_271 : vector<8x8x128xf32> to vector<64x128xf32>
    %swap3A_273 = arith.constant 320 : index
    %swap3A_274 = arith.constant 0 : index
    %swap3A_275 = vector.load %arg8[%swap3A_273, %swap3A_274] : memref<648x128xf32, #tpu.memory_space<vmem>>, vector<64x128xf32>
    tpu.vector_store %arg8[%swap3A_273, %swap3A_274], %reshape3A_272 {strides = array<i32>} : memref<648x128xf32, #tpu.memory_space<vmem>>, vector<64x128xf32>,
    %broadcast_in_dim3A_276 = vector.shape_cast %dot_general3A_69 : vector<8x128xf32> to vector<8x1x128xf32>
    %broadcast_in_dim3A_277 = vector.shape_cast %add3A_78 : vector<8x128xf32> to vector<1x8x128xf32>
    %add3A_278 = vector.broadcast %broadcast_in_dim3A_276 : vector<8x1x128xf32> to vector<8x8x128xf32>
    %add3A_279 = vector.broadcast %broadcast_in_dim3A_277 : vector<1x8x128xf32> to vector<8x8x128xf32>
    %add3A_280 = arith.addf %add3A_278, %add3A_279 : vector<8x8x128xf32>
    %reshape3A_281 = vector.shape_cast %add3A_280 : vector<8x8x128xf32> to vector<64x128xf32>
    %swap3A_282 = arith.constant 384 : index
    %swap3A_283 = arith.constant 0 : index
    %swap3A_284 = vector.load %arg8[%swap3A_282, %swap3A_283] : memref<648x128xf32, #tpu.memory_space<vmem>>, vector<64x128xf32>
    tpu.vector_store %arg8[%swap3A_282, %swap3A_283], %reshape3A_281 {strides = array<i32>} : memref<648x128xf32, #tpu.memory_space<vmem>>, vector<64x128xf32>,
    %broadcast_in_dim3A_285 = vector.shape_cast %add3A_97 : vector<8x128xf32> to vector<8x1x128xf32>
    %broadcast_in_dim3A_286 = vector.shape_cast %add3A_118 : vector<8x128xf32> to vector<1x8x128xf32>
    %add3A_287 = vector.broadcast %broadcast_in_dim3A_285 : vector<8x1x128xf32> to vector<8x8x128xf32>
    %add3A_288 = vector.broadcast %broadcast_in_dim3A_286 : vector<1x8x128xf32> to vector<8x8x128xf32>
    %add3A_289 = arith.addf %add3A_287, %add3A_288 : vector<8x8x128xf32>
    %reshape3A_290 = vector.shape_cast %add3A_289 : vector<8x8x128xf32> to vector<64x128xf32>
    %swap3A_291 = arith.constant 448 : index
    %swap3A_292 = arith.constant 0 : index
    %swap3A_293 = vector.load %arg8[%swap3A_291, %swap3A_292] : memref<648x128xf32, #tpu.memory_space<vmem>>, vector<64x128xf32>
    tpu.vector_store %arg8[%swap3A_291, %swap3A_292], %reshape3A_290 {strides = array<i32>} : memref<648x128xf32, #tpu.memory_space<vmem>>, vector<64x128xf32>,
    %broadcast_in_dim3A_294 = vector.shape_cast %add3A_139 : vector<8x128xf32> to vector<8x1x128xf32>
    %broadcast_in_dim3A_295 = vector.shape_cast %add3A_160 : vector<8x128xf32> to vector<1x8x128xf32>
    %add3A_296 = vector.broadcast %broadcast_in_dim3A_294 : vector<8x1x128xf32> to vector<8x8x128xf32>
    %add3A_297 = vector.broadcast %broadcast_in_dim3A_295 : vector<1x8x128xf32> to vector<8x8x128xf32>
    %add3A_298 = arith.addf %add3A_296, %add3A_297 : vector<8x8x128xf32>
    %reshape3A_299 = vector.shape_cast %add3A_298 : vector<8x8x128xf32> to vector<64x128xf32>
    %swap3A_300 = arith.constant 512 : index
    %swap3A_301 = arith.constant 0 : index
    %swap3A_302 = vector.load %arg8[%swap3A_300, %swap3A_301] : memref<648x128xf32, #tpu.memory_space<vmem>>, vector<64x128xf32>
    tpu.vector_store %arg8[%swap3A_300, %swap3A_301], %reshape3A_299 {strides = array<i32>} : memref<648x128xf32, #tpu.memory_space<vmem>>, vector<64x128xf32>,
    %broadcast_in_dim3A_303 = vector.shape_cast %add3A_181 : vector<8x128xf32> to vector<8x1x128xf32>
    %broadcast_in_dim3A_304 = vector.shape_cast %add3A_202 : vector<8x128xf32> to vector<1x8x128xf32>
    %add3A_305 = vector.broadcast %broadcast_in_dim3A_303 : vector<8x1x128xf32> to vector<8x8x128xf32>
    %add3A_306 = vector.broadcast %broadcast_in_dim3A_304 : vector<1x8x128xf32> to vector<8x8x128xf32>
    %add3A_307 = arith.addf %add3A_305, %add3A_306 : vector<8x8x128xf32>
    %reshape3A_308 = vector.shape_cast %add3A_307 : vector<8x8x128xf32> to vector<64x128xf32>
    %swap3A_309 = arith.constant 576 : index
    %swap3A_310 = arith.constant 0 : index
    %swap3A_311 = vector.load %arg8[%swap3A_309, %swap3A_310] : memref<648x128xf32, #tpu.memory_space<vmem>>, vector<64x128xf32>
    tpu.vector_store %arg8[%swap3A_309, %swap3A_310], %reshape3A_308 {strides = array<i32>} : memref<648x128xf32, #tpu.memory_space<vmem>>, vector<64x128xf32>,
    %swap3A_312 = arith.constant 640 : index
    %swap3A_313 = arith.constant 0 : index
    %swap3A_314 = vector.load %arg8[%swap3A_312, %swap3A_313] : memref<648x128xf32, #tpu.memory_space<vmem>>, vector<8x128xf32>
    tpu.vector_store %arg8[%swap3A_312, %swap3A_313], %add3A_223 {strides = array<i32>} : memref<648x128xf32, #tpu.memory_space<vmem>>, vector<8x128xf32>,
    %swap3A_315 = arith.constant 0 : index
    %swap3A_316 = arith.constant 0 : index
    %swap3A_317 = vector.load %arg9[%swap3A_315, %swap3A_316] : memref<168x128xf32, #tpu.memory_space<vmem>>, vector<8x128xf32>
    tpu.vector_store %arg9[%swap3A_315, %swap3A_316], %dot_general3A_10 {strides = array<i32>} : memref<168x128xf32, #tpu.memory_space<vmem>>, vector<8x128xf32>,
    %swap3A_318 = arith.constant 8 : index
    %swap3A_319 = arith.constant 0 : index
    %swap3A_320 = vector.load %arg9[%swap3A_318, %swap3A_319] : memref<168x128xf32, #tpu.memory_space<vmem>>, vector<8x128xf32>
    tpu.vector_store %arg9[%swap3A_318, %swap3A_319], %dot_general3A_18 {strides = array<i32>} : memref<168x128xf32, #tpu.memory_space<vmem>>, vector<8x128xf32>,
    %swap3A_321 = arith.constant 16 : index
    %swap3A_322 = arith.constant 0 : index
    %swap3A_323 = vector.load %arg9[%swap3A_321, %swap3A_322] : memref<168x128xf32, #tpu.memory_space<vmem>>, vector<8x128xf32>
    tpu.vector_store %arg9[%swap3A_321, %swap3A_322], %get3A_21 {strides = array<i32>} : memref<168x128xf32, #tpu.memory_space<vmem>>, vector<8x128xf32>,
    %swap3A_324 = arith.constant 24 : index
    %swap3A_325 = arith.constant 0 : index
    %swap3A_326 = vector.load %arg9[%swap3A_324, %swap3A_325] : memref<168x128xf32, #tpu.memory_space<vmem>>, vector<8x128xf32>
    tpu.vector_store %arg9[%swap3A_324, %swap3A_325], %get3A_24 {strides = array<i32>} : memref<168x128xf32, #tpu.memory_space<vmem>>, vector<8x128xf32>,
    %swap3A_327 = arith.constant 32 : index
    %swap3A_328 = arith.constant 0 : index
    %swap3A_329 = vector.load %arg9[%swap3A_327, %swap3A_328] : memref<168x128xf32, #tpu.memory_space<vmem>>, vector<8x128xf32>
    tpu.vector_store %arg9[%swap3A_327, %swap3A_328], %get3A_27 {strides = array<i32>} : memref<168x128xf32, #tpu.memory_space<vmem>>, vector<8x128xf32>,
    %swap3A_330 = arith.constant 40 : index
    %swap3A_331 = arith.constant 0 : index
    %swap3A_332 = vector.load %arg9[%swap3A_330, %swap3A_331] : memref<168x128xf32, #tpu.memory_space<vmem>>, vector<8x128xf32>
    tpu.vector_store %arg9[%swap3A_330, %swap3A_331], %get3A_30 {strides = array<i32>} : memref<168x128xf32, #tpu.memory_space<vmem>>, vector<8x128xf32>,
    %swap3A_333 = arith.constant 48 : index
    %swap3A_334 = arith.constant 0 : index
    %swap3A_335 = vector.load %arg9[%swap3A_333, %swap3A_334] : memref<168x128xf32, #tpu.memory_space<vmem>>, vector<8x128xf32>
    tpu.vector_store %arg9[%swap3A_333, %swap3A_334], %get3A_33 {strides = array<i32>} : memref<168x128xf32, #tpu.memory_space<vmem>>, vector<8x128xf32>,
    %swap3A_336 = arith.constant 56 : index
    %swap3A_337 = arith.constant 0 : index
    %swap3A_338 = vector.load %arg9[%swap3A_336, %swap3A_337] : memref<168x128xf32, #tpu.memory_space<vmem>>, vector<8x128xf32>
    tpu.vector_store %arg9[%swap3A_336, %swap3A_337], %get3A_36 {strides = array<i32>} : memref<168x128xf32, #tpu.memory_space<vmem>>, vector<8x128xf32>,
    %swap3A_339 = arith.constant 64 : index
    %swap3A_340 = arith.constant 0 : index
    %swap3A_341 = vector.load %arg9[%swap3A_339, %swap3A_340] : memref<168x128xf32, #tpu.memory_space<vmem>>, vector<8x128xf32>
    tpu.vector_store %arg9[%swap3A_339, %swap3A_340], %get3A_39 {strides = array<i32>} : memref<168x128xf32, #tpu.memory_space<vmem>>, vector<8x128xf32>,
    %swap3A_342 = arith.constant 72 : index
    %swap3A_343 = arith.constant 0 : index
    %swap3A_344 = vector.load %arg9[%swap3A_342, %swap3A_343] : memref<168x128xf32, #tpu.memory_space<vmem>>, vector<8x128xf32>
    tpu.vector_store %arg9[%swap3A_342, %swap3A_343], %get3A_42 {strides = array<i32>} : memref<168x128xf32, #tpu.memory_space<vmem>>, vector<8x128xf32>,
    %swap3A_345 = arith.constant 80 : index
    %swap3A_346 = arith.constant 0 : index
    %swap3A_347 = vector.load %arg9[%swap3A_345, %swap3A_346] : memref<168x128xf32, #tpu.memory_space<vmem>>, vector<8x128xf32>
    tpu.vector_store %arg9[%swap3A_345, %swap3A_346], %add3A_59 {strides = array<i32>} : memref<168x128xf32, #tpu.memory_space<vmem>>, vector<8x128xf32>,
    %swap3A_348 = arith.constant 88 : index
    %swap3A_349 = arith.constant 0 : index
    %swap3A_350 = vector.load %arg9[%swap3A_348, %swap3A_349] : memref<168x128xf32, #tpu.memory_space<vmem>>, vector<8x128xf32>
    tpu.vector_store %arg9[%swap3A_348, %swap3A_349], %dot_general3A_64 {strides = array<i32>} : memref<168x128xf32, #tpu.memory_space<vmem>>, vector<8x128xf32>,
    %swap3A_351 = arith.constant 96 : index
    %swap3A_352 = arith.constant 0 : index
    %swap3A_353 = vector.load %arg9[%swap3A_351, %swap3A_352] : memref<168x128xf32, #tpu.memory_space<vmem>>, vector<8x128xf32>
    tpu.vector_store %arg9[%swap3A_351, %swap3A_352], %dot_general3A_69 {strides = array<i32>} : memref<168x128xf32, #tpu.memory_space<vmem>>, vector<8x128xf32>,
    %swap3A_354 = arith.constant 104 : index
    %swap3A_355 = arith.constant 0 : index
    %swap3A_356 = vector.load %arg9[%swap3A_354, %swap3A_355] : memref<168x128xf32, #tpu.memory_space<vmem>>, vector<8x128xf32>
    tpu.vector_store %arg9[%swap3A_354, %swap3A_355], %add3A_78 {strides = array<i32>} : memref<168x128xf32, #tpu.memory_space<vmem>>, vector<8x128xf32>,
    %swap3A_357 = arith.constant 112 : index
    %swap3A_358 = arith.constant 0 : index
    %swap3A_359 = vector.load %arg9[%swap3A_357, %swap3A_358] : memref<168x128xf32, #tpu.memory_space<vmem>>, vector<8x128xf32>
    tpu.vector_store %arg9[%swap3A_357, %swap3A_358], %add3A_97 {strides = array<i32>} : memref<168x128xf32, #tpu.memory_space<vmem>>, vector<8x128xf32>,
    %swap3A_360 = arith.constant 120 : index
    %swap3A_361 = arith.constant 0 : index
    %swap3A_362 = vector.load %arg9[%swap3A_360, %swap3A_361] : memref<168x128xf32, #tpu.memory_space<vmem>>, vector<8x128xf32>
    tpu.vector_store %arg9[%swap3A_360, %swap3A_361], %add3A_118 {strides = array<i32>} : memref<168x128xf32, #tpu.memory_space<vmem>>, vector<8x128xf32>,
    %swap3A_363 = arith.constant 128 : index
    %swap3A_364 = arith.constant 0 : index
    %swap3A_365 = vector.load %arg9[%swap3A_363, %swap3A_364] : memref<168x128xf32, #tpu.memory_space<vmem>>, vector<8x128xf32>
    tpu.vector_store %arg9[%swap3A_363, %swap3A_364], %add3A_139 {strides = array<i32>} : memref<168x128xf32, #tpu.memory_space<vmem>>, vector<8x128xf32>,
    %swap3A_366 = arith.constant 136 : index
    %swap3A_367 = arith.constant 0 : index
    %swap3A_368 = vector.load %arg9[%swap3A_366, %swap3A_367] : memref<168x128xf32, #tpu.memory_space<vmem>>, vector<8x128xf32>
    tpu.vector_store %arg9[%swap3A_366, %swap3A_367], %add3A_160 {strides = array<i32>} : memref<168x128xf32, #tpu.memory_space<vmem>>, vector<8x128xf32>,
    %swap3A_369 = arith.constant 144 : index
    %swap3A_370 = arith.constant 0 : index
    %swap3A_371 = vector.load %arg9[%swap3A_369, %swap3A_370] : memref<168x128xf32, #tpu.memory_space<vmem>>, vector<8x128xf32>
    tpu.vector_store %arg9[%swap3A_369, %swap3A_370], %add3A_181 {strides = array<i32>} : memref<168x128xf32, #tpu.memory_space<vmem>>, vector<8x128xf32>,
    %swap3A_372 = arith.constant 152 : index
    %swap3A_373 = arith.constant 0 : index
    %swap3A_374 = vector.load %arg9[%swap3A_372, %swap3A_373] : memref<168x128xf32, #tpu.memory_space<vmem>>, vector<8x128xf32>
    tpu.vector_store %arg9[%swap3A_372, %swap3A_373], %add3A_202 {strides = array<i32>} : memref<168x128xf32, #tpu.memory_space<vmem>>, vector<8x128xf32>,
    %swap3A_375 = arith.constant 160 : index
    %swap3A_376 = arith.constant 0 : index
    %swap3A_377 = vector.load %arg9[%swap3A_375, %swap3A_376] : memref<168x128xf32, #tpu.memory_space<vmem>>, vector<8x128xf32>
    tpu.vector_store %arg9[%swap3A_375, %swap3A_376], %add3A_223 {strides = array<i32>} : memref<168x128xf32, #tpu.memory_space<vmem>>, vector<8x128xf32>,
    return
  }
}

</mosaic_0001>

<sc_bundles>
// kernel: kernel.5.cloned.1.call-start
scs
__scs_entry_jumppad:
0x0: {  	(pc) =	sbr.rel $0x88, $3  }
0x1: {  	(tag) =	ssettag $0x0;
	lr =	simm.s32 $0x1  }
0x2: {  	[smem:$0x3F7F] =	sst lr;
	_ =	strace $0xD0000000  }
0x3: {  	_ = 	snop  }
0x4: {  	_ = 	snop  }
0x5: {  	_ = 	snop  }
0x6: {  	_ = 	snop  }
0x7: {  	_ = 	snop  }
__scs_overlays_trampoline_lowered:
0x8: {  	[smem:$0x3F8E] =	sst s0  }
0x9: {  	[smem:$0x3F8F] =	sst s1  }
0xa: {  	[smem:$0x3F90] =	sst s2  }
0xb: {  	[smem:$0x3F91] =	sst s3  }
0xc: {  	[smem:$0x3F92] =	sst s4  }
0xd: {  	[smem:$0x3F93] =	sst s5  }
0xe: {  	[smem:$0x3F94] =	sst s6  }
0xf: {  	[smem:$0x3F95] =	sst s7  }
0x10: {  	[smem:$0x3F96] =	sst s8  }
0x11: {  	[smem:$0x3F97] =	sst s9;
	s0 =	simm.s32 @!p0 $0x0  }
0x12: {  	s1 =	sld [smem:$0x3F7D];
	s0 =	simm.s32 @p0 $0x1  }
0x13: {  	[smem:$0x3F98] =	sst s0;
	s0 =	simm.s32 @!p1 $0x0  }
0x14: {  	s2 =	sld [smem:$0x3F7C];
	s0 =	simm.s32 @p1 $0x1  }
0x15: {  	[smem:$0x3F99] =	sst s0;
	s0 =	simm.s32 @!p2 $0x0  }
0x16: {  	s3 =	sld [smem:$0x3FDB];
	s0 =	simm.s32 @p2 $0x1  }
0x17: {  	s4 =	simm.s32 $0x1BF5;
	[smem:$0x3F9B] =	sst s0  }
0x18: {  	s0 =	sld [smem:$0x3F7E];
	_ =	swait.ge [sflag:s4], $0x0  }
0x19: {  	s7 =	sld [smem:$0x3F7F]  }
0x1a: {  	s8 =	sadd.s32 $0xFFFFE003, lr  }
0x1b: {  	s9 =	sadd.s32 $0xFFFFFEF7, lr;
	s5 =	simm.s32 $0xFFFFFFFF;
	p2 =	slt.u32 s8, $0xFFFFF086  }
0x1c: {  	p1 =	slt.u32 s9, $0xF7A;
	s5 =	simm.s32 @!p2 $0x0  }
0x1d: {  	s5 =	simm.s32 @p1 $0x1;
	p0 =	seq.s32 s7, s2  }
0x1e: {  	s7 =	smul.u32 @!p0 $0xF7A, s2;
	p2 =	seq.s32 @!p0 s5, $0x0  }
0x1f: {  	s9 =	smul.u32 $0xF7A, s1;
	s8 =	simm.s32 @!p0 $0x1BF5;
	p2 =	por !p2, p0  }
0x20: {  	[sflag:s8] =	ssyncset.s32 @!p0 $0xFFFFF086;
	s6 =	sadd.s32 @!p0 s3, s7;
	s7 =	simm.s32 @!p0 $0x108  }
0x21: {  	s3 =	sadd.s32 s3, s9;
	s6 =	sadd.s32 @!p0 $0x88, s6;
	s7 =	simm.s32 @p2 $0x1082  }
0x22: {  	[simem:s7], [sflag:s8] =	dma.local @!p0 [hbm:s6], $0xF7A  }
0x23: {  	s9 =	sor.u32 $0xD0000000, s2;
	s6 =	simm.s32 $0x108;
	_ =	swait.ge @!p0 [sflag:s8], $0x0  }
0x24: {  	s3 =	sadd.s32 $0x88, s3;
	s6 =	simm.s32 @!p1 $0x1082;
	[sflag:s4] =	ssyncset.s32 $0xFFFFF086  }
0x25: {  	[simem:s6], [sflag:s4] =	dma.local [hbm:s3], $0xF7A  }
0x26: {  	[smem:$0x3F7F] =	sst s1;
	(tag) =	ssettag s2;
	_ =	strace s9  }
0x27: {  	s1 =	sld [smem:$0x3F8F]  }
0x28: {  	s2 =	sld [smem:$0x3F90]  }
0x29: {  	s4 =	sld [smem:$0x3F92]  }
0x2a: {  	p0 =	seq.s32 s5, $0x0;
	s5 =	sld [smem:$0x3F93]  }
0x2b: {  	s6 =	sld [smem:$0x3F94]  }
0x2c: {  	s7 =	sld [smem:$0x3F95]  }
0x2d: {  	s3 =	simm.s32 $0x108;
	s8 =	sld [smem:$0x3F96]  }
0x2e: {  	s3 =	simm.s32 @!p0 $0x1082;
	s9 =	sld [smem:$0x3F97]  }
0x2f: {  	lr =	sadd.s32 s0, s3;
	s0 =	sld [smem:$0x3F8E]  }
0x30: {  	s3 =	sld [smem:$0x3F91]  }
0x31: {  	[smem:$0x3F9A] =	sst s10  }
0x32: {  	s10 =	sld [smem:$0x3F98];
	_ =	sdelay $0x3  }
0x33: {  	p0 =	seq.s32 s10, $0x1;
	s10 =	sld [smem:$0x3F9A];
	_ =	sdelay $0x3  }
0x34: {  	[smem:$0x3F9A] =	sst s10  }
0x35: {  	s10 =	sld [smem:$0x3F99];
	_ =	sdelay $0x3  }
0x36: {  	p1 =	seq.s32 s10, $0x1;
	s10 =	sld [smem:$0x3F9A];
	_ =	sdelay $0x3  }
0x37: {  	[smem:$0x3F9A] =	sst s10  }
0x38: {  	s10 =	sld [smem:$0x3F9B]  }
0x39: {  	_ = 	snop;
	(pc) =	sbr.ind lr, $3  }
0x3a: {  	_ = 	snop  }
0x3b: {  	_ = 	snop  }
0x3c: {  	p2 =	seq.s32 s10, $0x1;
	s10 =	sld [smem:$0x3F9A]  }
0x3d: {  	_ =	shalt  }
0x3e: {  	_ =	shalt  }
0x3f: {  	_ =	shalt  }
0x40: {  	_ =	shalt  }
0x41: {  	_ =	shalt  }
0x42: {  	_ =	shalt  }
0x43: {  	_ =	shalt  }
0x44: {  	_ =	shalt  }
0x45: {  	_ =	shalt  }
0x46: {  	_ =	shalt  }
0x47: {  	_ =	shalt  }
0x48: {  	_ =	shalt  }
0x49: {  	_ =	shalt  }
0x4a: {  	_ =	shalt  }
0x4b: {  	_ =	shalt  }
0x4c: {  	_ =	shalt  }
0x4d: {  	_ =	shalt  }
0x4e: {  	_ =	shalt  }
0x4f: {  	_ =	shalt  }
0x50: {  	_ =	shalt  }
0x51: {  	_ =	shalt  }
0x52: {  	_ =	shalt  }
0x53: {  	_ =	shalt  }
0x54: {  	_ =	shalt  }
0x55: {  	_ =	shalt  }
0x56: {  	_ =	shalt  }
0x57: {  	_ =	shalt  }
0x58: {  	_ =	shalt  }
0x59: {  	_ =	shalt  }
0x5a: {  	_ =	shalt  }
0x5b: {  	_ =	shalt  }
0x5c: {  	_ =	shalt  }
0x5d: {  	_ =	shalt  }
0x5e: {  	_ =	shalt  }
0x5f: {  	_ =	shalt  }
0x60: {  	_ =	shalt  }
0x61: {  	_ =	shalt  }
0x62: {  	_ =	shalt  }
0x63: {  	_ =	shalt  }
0x64: {  	_ =	shalt  }
0x65: {  	_ =	shalt  }
0x66: {  	_ =	shalt  }
0x67: {  	_ =	shalt  }
0x68: {  	_ =	shalt  }
0x69: {  	_ =	shalt  }
0x6a: {  	_ =	shalt  }
0x6b: {  	_ =	shalt  }
0x6c: {  	_ =	shalt  }
0x6d: {  	_ =	shalt  }
0x6e: {  	_ =	shalt  }
0x6f: {  	_ =	shalt  }
0x70: {  	_ =	shalt  }
0x71: {  	_ =	shalt  }
0x72: {  	_ =	shalt  }
0x73: {  	_ =	shalt  }
0x74: {  	_ =	shalt  }
0x75: {  	_ =	shalt  }
0x76: {  	_ =	shalt  }
0x77: {  	_ =	shalt  }
0x78: {  	_ =	shalt  }
0x79: {  	_ =	shalt  }
0x7a: {  	_ =	shalt  }
0x7b: {  	_ =	shalt  }
0x7c: {  	_ =	shalt  }
0x7d: {  	_ =	shalt  }
0x7e: {  	_ =	shalt  }
0x7f: {  	_ =	shalt  }
0x80: {  	_ =	shalt  }
0x81: {  	_ =	shalt  }
0x82: {  	_ =	shalt  }
0x83: {  	_ =	shalt  }
0x84: {  	_ =	shalt  }
0x85: {  	_ =	shalt  }
0x86: {  	_ =	shalt  }
0x87: {  	_ =	shalt  }
.Lfunc_end0:
.L_simem_size_0:
called_computation_lowered:
.L_overlay_start_0:
0x88: {  	s2 =	sld [smem:$0x3FD9]  }
0x89: {  	s3 =	sld [smem:$0x3FFE];
	_ =	sdelay $0x1  }
0x8a: {  	s1 =	srdreg.scid  }
0x8b: {  	s0 =	sand.u32 $0x1, s1  }
0x8c: {  	s14 =	sshll.u32 s0, $0xA;
	s2 =	sadd.s32 s3, s2  }
0x8d: {  	s2 =	sadd.s32 s2, s14  }
0x8e: {  	[smem:$0x3FA6] =	sst s2  }
0x8f: {  	_ = 	snop  }
0x90: {  	s2 =	sld [smem:$0x3FD0];
	_ =	sdelay $0x2  }
0x91: {  	s15 =	simm.s32 $0xA;
	s4 =	simm.s32 $0x10  }
0x92: {  	[smem:s4], [sflag:s15] =	dma.local [hbm:s2], $0x1  }
0x93: {  	_ =	swait.eq [sflag:s15], $0x1  }
0x94: {  	[sflag:s15] =	ssyncset.done $0x0  }
0x95: {  	[sflag:s15] =	ssyncadd.s32 $0xFFFFFFFF  }
0x96: {  	s16 =	sld [smem:$0x10];
	(tm) =	ssettm $0x1  }
0x97: {  	s17 =	sld [smem:$0x3FFB];
	_ =	sdelay $0x3  }
0x98: {  	_ =	strace s17  }
0x99: {  	s3 =	sld [smem:$0x3FFC];
	_ =	sdelay $0x3  }
0x9a: {  	_ =	strace s3  }
0x9b: {  	s3 =	sld [smem:$0x3FFD];
	_ =	sdelay $0x3  }
0x9c: {  	_ =	strace s3  }
0x9d: {  	_ =	strace $0x8FFFFFFF  }
0x9e: {  	s18 =	sld [smem:$0x3FDB];
	_ =	sdelay $0x1  }
0x9f: {  	s19 =	simm.s32 $_scs_section_size  }
0xa0: {  	s5 =	simm.s32 $_size__tile_overlayer_lowered;
	s6 =	simm.s32 $_tile_overlayer_lowered  }
0xa1: {  	s22 =	simm.s32 $0x1BFF;
	s21 =	sshll.u32 s6, $0x1;
	s3 =	sadd.s32 s19, s18  }
0xa2: {  	s7 =	simm.s32 $0x0;
	s20 =	sshll.u32 s5, $0x1;
	s5 =	sadd.s32 s21, s3  }
0xa3: {  	[timem:s7], [sflag:s22] =	dma.local [hbm:s5], s20  }
0xa4: {  	_ =	swait.ge [sflag:s22], s20  }
0xa5: {  	s4 =	ssub.s32 $0x0, s20;
	[sflag:s22] =	ssyncset.done $0x0  }
0xa6: {  	[sflag:s22] =	ssyncadd.s32 s4;
	_ =	sdelay $0x1  }
0xa7: {  	s23 =	simm.s32 $0x1B8B  }
0xa8: {  	_ =	swait.ge [sflag:s23], $0x1  }
0xa9: {  	[sflag:s23] =	ssyncset.done $0x0  }
0xaa: {  	s25 =	simm.s32 $0x1B8E;
	s24 =	sld [smem:$0x3FFE];
	[sflag:s23] =	ssyncadd.s32 $0xFFFFFFFF  }
0xab: {  	s26 =	simm.s32 $execute0_lowered;
	[smem:$0x3FD2] =	sst s25  }
0xac: {  	s5 =	sshll.u32 s26, $0x1;
	_ =	strace $0x80000046;
	[dreg:$0x1] =	wrdreg $0xFFFFFFFF  }
0xad: {  	s28 =	simm.s32 $_size_execute0_lowered;
	s3 =	sadd.s32 s3, s5;
	[dreg:$0x0] =	wrdreg $0x0  }
0xae: {  	s5 =	sshll.u32 s28, $0x1;
	[dreg:$0x2] =	wrdreg s3  }
0xaf: {  	[dreg:$0x3] =	wrdreg s5  }
0xb0: {  	[dreg:$0x4] =	wrdreg $0xC0  }
0xb1: {  	_ =	task [dreg:s7], $0x5FFFF  }
0xb2: {  	[dreg:$0x1] =	wrdreg $0xFFFFFFFF  }
0xb3: {  	[dreg:$0x0] =	wrdreg $0x60  }
0xb4: {  	[dreg:$0x2] =	wrdreg s16  }
0xb5: {  	[dreg:$0x3] =	wrdreg s24  }
0xb6: {  	[dreg:$0x4] =	wrdreg $0x9  }
0xb7: {  	_ =	task.clear_ibuf [dreg:s7], $0x5FFFF;
	_ =	strace $0x90000046  }
0xb8: {  	s29 =	simm.s32 $0x9;
	_ =	strace $0x80000048  }
0xb9: {  	_ =	swait.ge [sflag:s29], $0x1  }
0xba: {  	[sflag:s29] =	ssyncadd.s32 $0xFFFFFFFF  }
0xbb: {  	_ =	strace $0x90000048  }
0xbc: {  	_ =	sfence  }
0xbd: {  	s30 =	sld [smem:$0x0];
	_ =	sdelay $0x2  }
0xbe: {  	s31 =	sshll.u32 s1, $0xD;
	s1 =	sshrl.u32 s1, $0x2  }
0xbf: {  	s3 =	sand.u32 $0x4000, s31;
	s1 =	sadd.s32 s1, s30  }
0xc0: {  	s0 =	sor.u32 s3, s0;
	s1 =	sshll.u32 s1, $0x11  }
0xc1: {  	s0 =	sor.u32 s1, s0  }
0xc2: {  	s0 =	sadd.s32 $0x8F2B, s0  }
0xc3: {  	[sflag:s0] =	ssyncadd.remote.s32 $0x1  }
0xc4: {  	_ =	sfence.sel $0xFFFF  }
0xc5: {  	[dreg:$0x0] =	wrdreg $0xFFFFFFFF;
	(pc) =	sbr.abs _section_cstart, $3  }
0xc6: {  	[dreg:$0x1] =	wrdreg $0xFFFFFFFF  }
0xc7: {  	_ =	task.clear_ibuf [dreg:s7], $0x2FFFF;
	_ =	strace $0x9FFFFFFF  }
0xc8: {  	(tm) =	ssettm $0x7FFFFFFF  }
0xc9: {  	_ =	shalt  }
tec
execute0_lowered:
.L_overlay_start_1:
0x0: {  	(tag) =	ssettag $0x1  }
0x1: {  	s4 =	rddreg [dreg:$0x0]  }
0x2: {  	s5 =	rddreg [dreg:$0x1];
	v0 =	vlaneseq.u32  }
0x3: {  	s0 =	rddreg [dreg:$0x2];
	s3 =	srdreg.scid;
	v1 =	vmul.u32 $0x15, v0  }
0x4: {  	s1 =	stileid.u32;
	s2 =	simm.s32 $0x0;
	s10 =	simm.s32 $0x1  }
0x5: {  	s11 =	simm.s32 $0x15900;
	s12 =	simm.s32 $0x19900;
	s13 =	simm.s32 $0x0;
	v22 =	vmul.u32 $0x80, v0;
	v2 =	vadd.s32 $0x1, v1;
	v3 =	vadd.s32 $0x2, v1  }
0x6: {  	s3 =	sand.u32 $0x1, s3;
	s6 =	sshll.u32 s1, $0x1;
	[smem:$0x7FF] =	sst s2;
	v4 =	vadd.s32 $0x3, v1;
	v5 =	vadd.s32 $0x4, v1;
	v6 =	vadd.s32 $0x5, v1  }
0x7: {  	s6 =	sor.u32 s3, s6;
	s7 =	ssub.s32 $0x2, s3;
	s3 =	sadd.s32 $0x4200, s5;
	v7 =	vadd.s32 $0x6, v1;
	v8 =	vadd.s32 $0x7, v1;
	v9 =	vadd.s32 $0x8, v1  }
0x8: {  	s8 =	smul.u32 $0x2A0, s6;
	s6 =	sshll.u32 s6, $0xC;
	s9 =	sshrl.u32 s7, $0x1;
	v10 =	vadd.s32 $0x9, v1;
	v11 =	vadd.s32 $0xA, v1;
	v12 =	vadd.s32 $0xB, v1  }
0x9: {  	v13 =	vadd.s32 $0xC, v1;
	v14 =	vadd.s32 $0xD, v1;
	v15 =	vadd.s32 $0xE, v1;
	[tilespmem:$0x1FFF0] =	vst v2;
	s6 =	sadd.s32 s6, s5;
	s7 =	ssub.s32 s7, s9;
	s9 =	simm.s32 $0x2  }
0xa: {  	v16 =	vadd.s32 $0xF, v1;
	v17 =	vadd.s32 $0x10, v1;
	v18 =	vadd.s32 $0x11, v1;
	_ =	strace $0x80000047;
	s4 =	sadd.s32 s4, s8;
	s5 =	sadd.s32 $0x6C00, s6  }
0xb: {  	v19 =	vadd.s32 $0x12, v1;
	v20 =	vadd.s32 $0x13, v1;
	v21 =	vadd.s32 $0x14, v1;
	s6 =	sadd.s32 $0x7400, s6;
	s7 =	smax.u32 s7, $0x1;
	s8 =	simm.s32 $0x14400  }
.LBB2_1:
0xc: {  	[tilespmem:s2], [sflag:$0x1] =	stream.linear.gather [hbm4b:s3+s2], $0x14400, $0x38;
	[tilespmem:$0x1D900] =	vst v63  }
0xd: {  	_ = 	snop  }
0xe: {  	[tilespmem:s8], [sflag:$0x2] =	stream.linear.gather [hbm4b:s4+s2], $0x1500, $0x38;
	[tilespmem:$0x1D900] =	vst v63  }
0xf: {  	_ =	swait.ge [sflag:s9], $0x1500  }
0x10: {  	[sflag:s9] =	ssyncset.done $0x0  }
0x11: {  	[sflag:s9] =	ssyncadd.s32 $0xFFFFEB00  }
0x12: {  	_ =	swait.ge [sflag:s10], $0x14400  }
0x13: {  	[sflag:s10] =	ssyncset.done $0x0  }
0x14: {  	s14 =	simm.s32 $0x0;
	[sflag:s10] =	ssyncadd.s32 $0xFFFEBC00  }
.LBB2_2:
0x15: {  	s15 =	smul.u32 $0x150, s14;
	_ =	sdelay $0x1  }
0x16: {  	v23 =	vadd.s32 s15, v3  }
0x17: {  	v24 =	vadd.s32 s15, v4  }
0x18: {  	v25 =	vadd.s32 s15, v5  }
0x19: {  	v26 =	vadd.s32 s15, v6  }
0x1a: {  	v2 =	vld [tilespmem:$0x1FFF0];
	v27 =	vadd.s32 s15, v7  }
0x1b: {  	v28 =	vadd.s32 s15, v8;
	v23 =	vld.idx.msk [tilespmem:v23+s8+$0x0], $0xffff  }
0x1c: {  	v29 =	vadd.s32 s15, v9;
	v24 =	vld.idx.msk [tilespmem:v24+s8+$0x0], $0xffff  }
0x1d: {  	v30 =	vadd.s32 s15, v10;
	v25 =	vld.idx.msk [tilespmem:v25+s8+$0x0], $0xffff  }
0x1e: {  	v31 =	vadd.s32 s15, v11;
	v26 =	vld.idx.msk [tilespmem:v26+s8+$0x0], $0xffff  }
0x1f: {  	v43 =	vadd.s32 s15, v21;
	v27 =	vld.idx.msk [tilespmem:v27+s8+$0x0], $0xffff  }
0x20: {  	v32 =	vadd.s32 s15, v12;
	v28 =	vld.idx.msk [tilespmem:v28+s8+$0x0], $0xffff  }
0x21: {  	v33 =	vadd.s32 s15, v13;
	v29 =	vld.idx.msk [tilespmem:v29+s8+$0x0], $0xffff  }
0x22: {  	v34 =	vadd.s32 s15, v14;
	v38 =	vld.idx.msk [tilespmem:v30+s8+$0x0], $0xffff  }
0x23: {  	v35 =	vadd.s32 s15, v1;
	v31 =	vld.idx.msk [tilespmem:v31+s8+$0x0], $0xffff  }
0x24: {  	v30 =	vadd.s32 s15, v2;
	v53 =	vld.idx.msk [tilespmem:v43+s8+$0x0], $0xffff  }
0x25: {  	v32 =	vld.idx.msk [tilespmem:v32+s8+$0x0], $0xffff  }
0x26: {  	v36 =	vadd.s32 s15, v15;
	v37 =	vadd.s32 s15, v16;
	v39 =	vadd.s32 s15, v17;
	v33 =	vld.idx.msk [tilespmem:v33+s8+$0x0], $0xffff  }
0x27: {  	v40 =	vadd.s32 s15, v18;
	v41 =	vadd.s32 s15, v19;
	v42 =	vadd.s32 s15, v20;
	v34 =	vld.idx.msk [tilespmem:v34+s8+$0x0], $0xffff  }
0x28: {  	v35 =	vld.idx.msk [tilespmem:v35+s8+$0x0], $0xffff;
	v23 =	vshll.u32 v23, $0x3;
	v25 =	vshll.u32 v25, $0x3;
	v27 =	vshll.u32 v27, $0x3  }
0x29: {  	v30 =	vld.idx.msk [tilespmem:v30+s8+$0x0], $0xffff;
	v60 =	vshll.u32 v53, $0x7;
	v23 =	vadd.s32 v24, v23;
	v24 =	vadd.s32 v26, v25  }
0x2a: {  	v25 =	vadd.s32 v28, v27;
	v27 =	vadd.s32 $0x40, v23;
	v28 =	vadd.s32 $0x80, v24  }
0x2b: {  	v26 =	vld.idx.msk [tilespmem:v36+s8+$0x0], $0xffff;
	v47 =	vadd.s32 $0xC0, v25;
	v23 =	vshll.u32 v29, $0x3;
	v25 =	vshll.u32 v31, $0x3  }
0x2c: {  	v24 =	vld.idx.msk [tilespmem:v37+s8+$0x0], $0xffff;
	v29 =	vshll.u32 v33, $0x3;
	v23 =	vadd.s32 v38, v23;
	v25 =	vadd.s32 v32, v25  }
0x2d: {  	s28 =	simm.s32 $0x0;
	v31 =	vld.idx.msk [tilespmem:v39+s8+$0x0], $0xffff;
	v29 =	vadd.s32 v34, v29;
	v48 =	vadd.s32 $0x100, v23;
	v49 =	vadd.s32 $0x140, v25  }
0x2e: {  	v23 =	vshll.u32 v35, $0xA;
	v25 =	vshll.u32 v30, $0x7;
	v30 =	vadd.s32 s28, v0  }
0x2f: {  	v50 =	vld.idx.msk [tilespmem:v40+s8+$0x0], $0xffff;
	v29 =	vadd.s32 $0x180, v29;
	v23 =	vadd.s32 v23, v25;
	v39 =	vand.u32 $0x7F, v30  }
0x30: {  	v29 =	vshll.u32 v29, $0x7;
	v26 =	vshll.u32 v26, $0x3;
	v52 =	vor.u32 v23, v39  }
0x31: {  	v51 =	vld.idx.msk [tilespmem:v41+s8+$0x0], $0xffff;
	v25 =	vadd.s32 v24, v26;
	v24 =	vshll.u32 v27, $0x7;
	v61 =	vor.u32 v29, v39  }
0x32: {  	v30 =	vld.idx.msk [tilespmem:v42+s8+$0x0], $0xffff;
	v27 =	vshll.u32 v31, $0x3;
	v26 =	vshll.u32 v47, $0x7;
	v55 =	vor.u32 v24, v39  }
0x33: {  	v54 =	vadd.s32 $0x1C0, v25;
	v25 =	vshll.u32 v28, $0x7;
	v57 =	vor.u32 v26, v39  }
0x34: {  	v34 =	vadd.s32 v50, v27;
	v27 =	vshll.u32 v48, $0x7;
	v56 =	vor.u32 v25, v39  }
0x35: {  	v28 =	vshll.u32 v49, $0x7;
	v58 =	vor.u32 v27, v39;
	v34 =	vadd.s32 $0x200, v34;
	v37 =	vld.idx.msk [tilespmem:v52+s2+$0x0], $0xffff  }
0x36: {  	v31 =	vshll.u32 v51, $0x3;
	v59 =	vor.u32 v28, v39;
	v34 =	vshll.u32 v34, $0x7;
	v41 =	vld.idx.msk [tilespmem:v61+s2+$0x0], $0xffff  }
0x37: {  	v31 =	vadd.s32 v30, v31;
	v30 =	vshll.u32 v54, $0x7;
	v47 =	vor.u32 v34, v39;
	v40 =	vld.idx.msk [tilespmem:v55+s2+$0x0], $0xffff  }
0x38: {  	s29 =	simm.s32 $0x1;
	v62 =	vadd.s32 $0x240, v31;
	v31 =	vadd.s32 $0x14000, v60;
	v44 =	vor.u32 v30, v39;
	v63 =	vld.idx.msk [tilespmem:v57+s2+$0x0], $0xffff  }
0x39: {  	v60 =	vadd.s32 s29, v0;
	v33 =	vshll.u32 v62, $0x7;
	v45 =	vor.u32 v31, v39;
	v36 =	vld.idx.msk [tilespmem:v56+s2+$0x0], $0xffff  }
0x3a: {  	v32 =	vand.u32 $0x7F, v60;
	v46 =	vor.u32 v33, v39;
	v35 =	vld.idx.msk [tilespmem:v58+s2+$0x0], $0xffff  }
0x3b: {  	v43 =	vld.idx.msk [tilespmem:v59+s2+$0x0], $0xffff;
	v48 =	vor.u32 v23, v32  }
0x3c: {  	v49 =	vor.u32 v24, v32;
	v47 =	vld.idx.msk [tilespmem:v47+s2+$0x0], $0xffff  }
0x3d: {  	v50 =	vor.u32 v25, v32;
	v44 =	vld.idx.msk [tilespmem:v44+s2+$0x0], $0xffff  }
0x3e: {  	v51 =	vor.u32 v26, v32;
	v45 =	vld.idx.msk [tilespmem:v45+s2+$0x0], $0xffff  }
0x3f: {  	v52 =	vor.u32 v27, v32;
	v46 =	vld.idx.msk [tilespmem:v46+s2+$0x0], $0xffff  }
0x40: {  	v53 =	vor.u32 v28, v32;
	v48 =	vld.idx.msk [tilespmem:v48+s2+$0x0], $0xffff  }
0x41: {  	v54 =	vor.u32 v29, v32;
	v49 =	vld.idx.msk [tilespmem:v49+s2+$0x0], $0xffff  }
0x42: {  	s30 =	simm.s32 $0x2;
	s31 =	sshll.u32 s14, $0x4;
	vm0 =	veq.s32 v38, $0x0;
	v55 =	vor.u32 v30, v32;
	v50 =	vld.idx.msk [tilespmem:v50+s2+$0x0], $0xffff  }
0x43: {  	v61 =	vadd.s32 s30, v0;
	v62 =	vmov s31;
	v57 =	vor.u32 v31, v32;
	v51 =	vld.idx.msk [tilespmem:v51+s2+$0x0], $0xffff  }
0x44: {  	v56 =	vor.u32 v33, v32;
	v37 =	vadd.f32 v40, v37;
	v36 =	vadd.f32 v63, v36;
	v52 =	vld.idx.msk [tilespmem:v52+s2+$0x0], $0xffff  }
0x45: {  	v42 =	vadd.f32 v43, v35;
	v35 =	vand.u32 $0x7F, v61;
	v53 =	vld.idx.msk [tilespmem:v53+s2+$0x0], $0xffff;
	v43 =	vor.u32 v34, v32  }
0x46: {  	v40 =	vshll.u32 v62, $0x7;
	v54 =	vld.idx.msk [tilespmem:v54+s2+$0x0], $0xffff;
	v63 =	vor.u32 v23, v35;
	v41 =	vadd.f32 v44, v41  }
0x47: {  	v58 =	vld.idx.msk [tilespmem:v55+s2+$0x0], $0xffff;
	v60 =	vor.u32 v24, v35;
	v62 =	vor.u32 v26, v35;
	v61 =	vadd.f32 v36, v37  }
0x48: {  	v37 =	vld.idx.msk [tilespmem:v57+s2+$0x0], $0xffff;
	v36 =	vor.u32 v22, v40;
	v46 =	vadd.f32 v46, v47;
	v41 =	vadd.f32 v41, v42  }
0x49: {  	v59 =	vor.u32 v25, v35;
	v40 =	vld.idx.msk [tilespmem:v56+s2+$0x0], $0xffff;
	v39 =	vor.u32 v36, v39;
	v38 =	vadd.f32 v51, v50  }
0x4a: {  	v43 =	vld.idx.msk [tilespmem:v43+s2+$0x0], $0xffff;
	v50 =	vor.u32 v27, v35;
	v41 =	vadd.f32 v41, v61;
	v46 =	vadd.f32 v45, v46  }
0x4b: {  	v51 =	vor.u32 v28, v35;
	v44 =	vld.idx.msk [tilespmem:v63+s2+$0x0], $0xffff  }
0x4c: {  	v47 =	vld.idx.msk [tilespmem:v60+s2+$0x0], $0xffff;
	v63 =	vadd.f32 v46, v41;
	v41 =	vadd.f32 v53, v52;
	v52 =	vor.u32 v29, v35  }
0x4d: {  	v55 =	vor.u32 v30, v35;
	v42 =	vor.u32 v33, v35;
	v45 =	vadd.f32 v49, v48;
	v49 =	vld.idx.msk [tilespmem:v62+s2+$0x0], $0xffff  }
0x4e: {  	s15 =	simm.s32 $0x3;
	v48 =	vadd.f32 v58, v54;
	v46 =	vld.idx.msk [tilespmem:v59+s2+$0x0], $0xffff;
	v53 =	vor.u32 v31, v35;
	v54 =	vsel vm0, $0x0, v63  }
.LBB2_3:
0x4f: {  	v56 =	vadd.s32 s15, v0;
	p0 =	sne.s32 s15, $0x7F;
	s15 =	sadd.s32 $0x1, s15;
	v57 =	vld.idx.msk [tilespmem:v50+s2+$0x0], $0xffff;
	[tilespmem:v39+s11+$0x0] =	vst.idx.msk $0xffff, v54  }
0x50: {  	v58 =	vadd.f32 v40, v43;
	v54 =	vand.u32 $0x7F, v56;
	v56 =	vld.idx.msk [tilespmem:v51+s2+$0x0], $0xffff;
	v51 =	vor.u32 v34, v35  }
0x51: {  	v59 =	vor.u32 v23, v54;
	v60 =	vor.u32 v33, v54;
	v61 =	vld.idx.msk [tilespmem:v52+s2+$0x0], $0xffff  }
0x52: {  	v52 =	vor.u32 v24, v54;
	v62 =	vld.idx.msk [tilespmem:v55+s2+$0x0], $0xffff;
	v55 =	vadd.f32 v47, v44  }
0x53: {  	v41 =	vadd.f32 v48, v41;
	v63 =	vor.u32 v25, v54;
	v44 =	vadd.f32 v38, v45;
	v2 =	vld.idx.msk [tilespmem:v53+s2+$0x0], $0xffff  }
0x54: {  	v39 =	vor.u32 v36, v32;
	v53 =	vor.u32 v26, v54;
	v38 =	vadd.f32 v49, v46;
	v40 =	vld.idx.msk [tilespmem:v42+s2+$0x0], $0xffff  }
.Ltmp0:
0x55: {  	v50 =	vor.u32 v27, v54;
	v37 =	vadd.f32 v37, v58;
	v46 =	vadd.f32 v41, v44;
	v43 =	vld.idx.msk [tilespmem:v51+s2+$0x0], $0xffff;
	(pc) =	sbr.rel @p0 .LBB2_3-.Ltmp0, $4  }
0x56: {  	v32 =	vmovc v35;
	v35 =	vmov v54;
	v51 =	vor.u32 v28, v54;
	v41 =	vadd.f32 v56, v57;
	v44 =	vld.idx.msk [tilespmem:v59+s2+$0x0], $0xffff  }
0x57: {  	v42 =	vmovc v60;
	v45 =	vmov v55;
	v56 =	vadd.f32 v37, v46;
	v47 =	vld.idx.msk [tilespmem:v52+s2+$0x0], $0xffff;
	v52 =	vor.u32 v29, v35  }
0x58: {  	v55 =	vor.u32 v30, v35;
	v48 =	vadd.f32 v62, v61;
	v46 =	vld.idx.msk [tilespmem:v63+s2+$0x0], $0xffff  }
0x59: {  	v54 =	vsel vm0, $0x0, v56;
	v37 =	vmov v2;
	v49 =	vld.idx.msk [tilespmem:v53+s2+$0x0], $0xffff;
	v53 =	vor.u32 v31, v35  }
0x5a: {  	_ =	sdelay $0x3  }
0x5b: {  	v2 =	vld.idx.msk [tilespmem:v50+s2+$0x0], $0xffff;
	v23 =	vor.u32 v34, v35  }
0x5c: {  	v24 =	vld.idx.msk [tilespmem:v51+s2+$0x0], $0xffff  }
0x5d: {  	v25 =	vld.idx.msk [tilespmem:v52+s2+$0x0], $0xffff  }
0x5e: {  	v26 =	vld.idx.msk [tilespmem:v55+s2+$0x0], $0xffff  }
0x5f: {  	v27 =	vld.idx.msk [tilespmem:v42+s2+$0x0], $0xffff  }
0x60: {  	v23 =	vld.idx.msk [tilespmem:v23+s2+$0x0], $0xffff  }
0x61: {  	v28 =	vadd.f32 v40, v43;
	v31 =	vadd.f32 v38, v45  }
0x62: {  	v30 =	vld.idx.msk [tilespmem:v53+s2+$0x0], $0xffff;
	v29 =	vadd.f32 v47, v44;
	v33 =	vadd.f32 v49, v46  }
0x63: {  	v2 =	vadd.f32 v24, v2;
	v58 =	vadd.f32 v26, v25  }
0x64: {  	v59 =	vadd.f32 v48, v41;
	v60 =	vadd.f32 v33, v29  }
0x65: {  	v2 =	vadd.f32 v58, v2;
	v23 =	vadd.f32 v27, v23  }
0x66: {  	v61 =	vor.u32 v36, v32;
	s14 =	sadd.s32 $0x1, s14;
	v62 =	vadd.f32 v37, v28;
	v25 =	vadd.f32 v59, v31  }
0x67: {  	v63 =	vor.u32 v36, v35;
	p0 =	sne.s32 s14, $0x8;
	v2 =	vadd.f32 v2, v60;
	v23 =	vadd.f32 v30, v23  }
.Ltmp1:
0x68: {  	v25 =	vadd.f32 v62, v25;
	(pc) =	sbr.rel @p0 .LBB2_2-.Ltmp1, $4  }
0x69: {  	v2 =	vadd.f32 v23, v2  }
0x6a: {  	[tilespmem:v39+s11+$0x0] =	vst.idx.msk $0xffff, v54;
	v23 =	vsel vm0, $0x0, v25  }
0x6b: {  	[tilespmem:v61+s11+$0x0] =	vst.idx.msk $0xffff, v23;
	v2 =	vsel vm0, $0x0, v2  }
0x6c: {  	[tilespmem:v63+s11+$0x0] =	vst.idx.msk $0xffff, v2  }
0x6d: {  	s14 =	simm.s32 $0x0;
	s15 =	simm.s32 $0x0  }
0x6e: {  	[hbm4b:s5+s14] =	stream.linear.scatter [tilespmem:s11], [sflag:$0x1], $0x4000, $0x38;
	[tilespmem:$0x1D900] =	vst v63  }
.LBB2_6:
0x6f: {  	s16 =	smul.u32 $0x150, s15;
	_ =	sdelay $0x1  }
0x70: {  	s16 =	sadd.s32 $0xA80, s16  }
0x71: {  	v2 =	vadd.s32 s16, v3  }
0x72: {  	v23 =	vadd.s32 s16, v4  }
0x73: {  	v24 =	vadd.s32 s16, v5  }
0x74: {  	v25 =	vadd.s32 s16, v6  }
0x75: {  	v26 =	vadd.s32 s16, v7  }
0x76: {  	v29 =	vadd.s32 s16, v10;
	v2 =	vld.idx.msk [tilespmem:v2+s8+$0x0], $0xffff  }
0x77: {  	v23 =	vld.idx.msk [tilespmem:v23+s8+$0x0], $0xffff  }
0x78: {  	v27 =	vadd.s32 s16, v8;
	v24 =	vld.idx.msk [tilespmem:v24+s8+$0x0], $0xffff  }
0x79: {  	v28 =	vadd.s32 s16, v9;
	v25 =	vld.idx.msk [tilespmem:v25+s8+$0x0], $0xffff  }
0x7a: {  	v30 =	vadd.s32 s16, v11;
	v26 =	vld.idx.msk [tilespmem:v26+s8+$0x0], $0xffff  }
0x7b: {  	v31 =	vadd.s32 s16, v12;
	v38 =	vld.idx.msk [tilespmem:v29+s8+$0x0], $0xffff  }
0x7c: {  	v32 =	vadd.s32 s16, v13;
	v29 =	vld [tilespmem:$0x1FFF0]  }
0x7d: {  	v39 =	vadd.s32 s16, v18;
	v27 =	vld.idx.msk [tilespmem:v27+s8+$0x0], $0xffff  }
0x7e: {  	s29 =	simm.s32 $0x1;
	v35 =	vadd.s32 s16, v15;
	v28 =	vld.idx.msk [tilespmem:v28+s8+$0x0], $0xffff  }
0x7f: {  	v49 =	vadd.s32 s14, v0;
	v61 =	vadd.s32 s29, v0;
	v36 =	vadd.s32 s16, v16;
	v30 =	vld.idx.msk [tilespmem:v30+s8+$0x0], $0xffff  }
0x80: {  	v33 =	vadd.s32 s16, v14;
	v34 =	vadd.s32 s16, v1;
	v37 =	vadd.s32 s16, v17;
	v31 =	vld.idx.msk [tilespmem:v31+s8+$0x0], $0xffff  }
0x81: {  	v40 =	vadd.s32 s16, v19;
	v41 =	vadd.s32 s16, v20;
	v32 =	vld.idx.msk [tilespmem:v32+s8+$0x0], $0xffff;
	v29 =	vadd.s32 s16, v29  }
0x82: {  	v48 =	vld.idx.msk [tilespmem:v39+s8+$0x0], $0xffff;
	v2 =	vshll.u32 v2, $0x3;
	v24 =	vshll.u32 v24, $0x3;
	v26 =	vshll.u32 v26, $0x3  }
0x83: {  	v2 =	vadd.s32 v23, v2;
	v23 =	vadd.s32 v25, v24;
	v24 =	vadd.s32 v27, v26;
	v25 =	vld.idx.msk [tilespmem:v35+s8+$0x0], $0xffff  }
0x84: {  	v42 =	vadd.s32 s16, v21;
	v39 =	vand.u32 $0x7F, v49;
	v27 =	vadd.s32 $0xC0, v24;
	v24 =	vld.idx.msk [tilespmem:v36+s8+$0x0], $0xffff  }
0x85: {  	v26 =	vadd.s32 $0x80, v23;
	v23 =	vshll.u32 v28, $0x3;
	v28 =	vshll.u32 v30, $0x3  }
0x86: {  	v34 =	vld.idx.msk [tilespmem:v34+s8+$0x0], $0xffff;
	v2 =	vadd.s32 $0x40, v2;
	v30 =	vshll.u32 v32, $0x3;
	v28 =	vadd.s32 v31, v28  }
0x87: {  	v32 =	vand.u32 $0x7F, v61;
	v23 =	vadd.s32 v38, v23;
	v28 =	vadd.s32 $0x140, v28;
	v29 =	vld.idx.msk [tilespmem:v29+s8+$0x0], $0xffff  }
0x88: {  	v31 =	vld.idx.msk [tilespmem:v37+s8+$0x0], $0xffff;
	v47 =	vadd.s32 $0x100, v23;
	v28 =	vshll.u32 v28, $0x7;
	v25 =	vshll.u32 v25, $0x3  }
0x89: {  	v33 =	vld.idx.msk [tilespmem:v33+s8+$0x0], $0xffff;
	v62 =	vor.u32 v28, v39;
	v25 =	vadd.s32 v24, v25;
	v24 =	vshll.u32 v2, $0x7  }
0x8a: {  	v52 =	vadd.s32 $0x1C0, v25;
	v25 =	vshll.u32 v26, $0x7;
	v53 =	vor.u32 v24, v39  }
0x8b: {  	v50 =	vld.idx.msk [tilespmem:v40+s8+$0x0], $0xffff;
	v23 =	vshll.u32 v34, $0xA;
	v26 =	vshll.u32 v27, $0x7;
	v54 =	vor.u32 v25, v39  }
0x8c: {  	v51 =	vld.idx.msk [tilespmem:v42+s8+$0x0], $0xffff;
	v27 =	vshll.u32 v47, $0x7;
	v55 =	vor.u32 v26, v39;
	v29 =	vshll.u32 v29, $0x7  }
0x8d: {  	v31 =	vshll.u32 v31, $0x3;
	v56 =	vor.u32 v27, v39;
	v23 =	vadd.s32 v23, v29;
	v29 =	vld.idx.msk [tilespmem:v41+s8+$0x0], $0xffff  }
0x8e: {  	v30 =	vadd.s32 v33, v30;
	v33 =	vadd.s32 v48, v31;
	v48 =	vor.u32 v24, v32;
	v41 =	vld.idx.msk [tilespmem:v62+s2+$0x0], $0xffff  }
0x8f: {  	v49 =	vor.u32 v25, v32;
	v63 =	vld.idx.msk [tilespmem:v53+s2+$0x0], $0xffff  }
0x90: {  	v31 =	vshll.u32 v50, $0x3;
	v50 =	vor.u32 v26, v32;
	v40 =	vld.idx.msk [tilespmem:v54+s2+$0x0], $0xffff  }
0x91: {  	v30 =	vadd.s32 $0x180, v30;
	v2 =	vor.u32 v23, v39;
	v60 =	vld.idx.msk [tilespmem:v55+s2+$0x0], $0xffff  }
0x92: {  	v34 =	vshll.u32 v51, $0x7;
	v47 =	vor.u32 v23, v32;
	v35 =	vld.idx.msk [tilespmem:v56+s2+$0x0], $0xffff;
	v31 =	vadd.s32 v29, v31  }
0x93: {  	v48 =	vld.idx.msk [tilespmem:v48+s2+$0x0], $0xffff;
	v29 =	vshll.u32 v30, $0x7;
	v30 =	vshll.u32 v52, $0x7;
	v52 =	vor.u32 v28, v32  }
0x94: {  	v59 =	vadd.s32 $0x200, v33;
	v49 =	vld.idx.msk [tilespmem:v49+s2+$0x0], $0xffff;
	v57 =	vor.u32 v29, v39;
	v58 =	vadd.s32 $0x240, v31  }
0x95: {  	v50 =	vld.idx.msk [tilespmem:v50+s2+$0x0], $0xffff;
	v31 =	vadd.s32 $0x14000, v34;
	v43 =	vor.u32 v30, v39;
	v34 =	vshll.u32 v59, $0x7  }
0x96: {  	v2 =	vld.idx.msk [tilespmem:v2+s2+$0x0], $0xffff;
	v33 =	vshll.u32 v58, $0x7;
	v46 =	vor.u32 v34, v39  }
0x97: {  	v47 =	vld.idx.msk [tilespmem:v47+s2+$0x0], $0xffff;
	v45 =	vor.u32 v33, v39  }
0x98: {  	v51 =	vor.u32 v27, v32;
	v52 =	vld.idx.msk [tilespmem:v52+s2+$0x0], $0xffff  }
0x99: {  	v44 =	vor.u32 v31, v39;
	v37 =	vld.idx.msk [tilespmem:v57+s2+$0x0], $0xffff  }
0x9a: {  	s30 =	simm.s32 $0x2;
	v53 =	vor.u32 v29, v32;
	v43 =	vld.idx.msk [tilespmem:v43+s2+$0x0], $0xffff  }
0x9b: {  	v62 =	vadd.s32 s30, v0;
	v54 =	vor.u32 v30, v32;
	v46 =	vld.idx.msk [tilespmem:v46+s2+$0x0], $0xffff  }
0x9c: {  	v55 =	vor.u32 v33, v32;
	v41 =	vadd.f32 v41, v35;
	v35 =	vand.u32 $0x7F, v62;
	v45 =	vld.idx.msk [tilespmem:v45+s2+$0x0], $0xffff  }
0x9d: {  	vm0 =	veq.s32 v38, $0x0;
	v56 =	vor.u32 v31, v32;
	v62 =	vor.u32 v26, v35;
	v57 =	vld.idx.msk [tilespmem:v51+s2+$0x0], $0xffff  }
0x9e: {  	s31 =	sshll.u32 s15, $0x4;
	v36 =	vadd.f32 v60, v40;
	v58 =	vor.u32 v23, v35;
	v2 =	vadd.f32 v63, v2;
	v44 =	vld.idx.msk [tilespmem:v44+s2+$0x0], $0xffff  }
0x9f: {  	v51 =	vor.u32 v34, v32;
	v63 =	vmov s31;
	v53 =	vld.idx.msk [tilespmem:v53+s2+$0x0], $0xffff;
	v60 =	vadd.f32 v43, v37  }
0xa0: {  	v61 =	vor.u32 v24, v35;
	v54 =	vld.idx.msk [tilespmem:v54+s2+$0x0], $0xffff;
	v40 =	vshll.u32 v63, $0x7;
	v2 =	vadd.f32 v36, v2  }
0xa1: {  	v36 =	vor.u32 v22, v40;
	v40 =	vld.idx.msk [tilespmem:v55+s2+$0x0], $0xffff;
	v45 =	vadd.f32 v45, v46;
	v41 =	vadd.f32 v60, v41  }
0xa2: {  	v38 =	vadd.f32 v50, v49;
	v59 =	vor.u32 v25, v35;
	v50 =	vor.u32 v27, v35;
	v49 =	vld.idx.msk [tilespmem:v62+s2+$0x0], $0xffff  }
0xa3: {  	v39 =	vor.u32 v36, v39;
	v37 =	vld.idx.msk [tilespmem:v56+s2+$0x0], $0xffff;
	v2 =	vadd.f32 v41, v2;
	v63 =	vadd.f32 v44, v45  }
0xa4: {  	v43 =	vld.idx.msk [tilespmem:v51+s2+$0x0], $0xffff;
	v51 =	vor.u32 v28, v35  }
0xa5: {  	v44 =	vld.idx.msk [tilespmem:v58+s2+$0x0], $0xffff;
	v41 =	vadd.f32 v52, v57;
	v52 =	vor.u32 v29, v35;
	v2 =	vadd.f32 v63, v2  }
0xa6: {  	v42 =	vor.u32 v33, v35;
	v55 =	vor.u32 v30, v35;
	v45 =	vadd.f32 v48, v47;
	v47 =	vld.idx.msk [tilespmem:v61+s2+$0x0], $0xffff  }
0xa7: {  	s16 =	simm.s32 $0x3;
	v46 =	vld.idx.msk [tilespmem:v59+s2+$0x0], $0xffff;
	v48 =	vadd.f32 v54, v53;
	v53 =	vor.u32 v31, v35;
	v54 =	vsel vm0, $0x0, v2  }
.LBB2_7:
0xa8: {  	v2 =	vadd.s32 s16, v0;
	p0 =	sne.s32 s16, $0x7F;
	s16 =	sadd.s32 $0x1, s16;
	v56 =	vld.idx.msk [tilespmem:v50+s2+$0x0], $0xffff;
	[tilespmem:v39+s12+$0x0] =	vst.idx.msk $0xffff, v54  }
0xa9: {  	v57 =	vadd.f32 v40, v43;
	v2 =	vand.u32 $0x7F, v2;
	v54 =	vld.idx.msk [tilespmem:v51+s2+$0x0], $0xffff;
	v51 =	vor.u32 v34, v35  }
0xaa: {  	v58 =	vor.u32 v23, v2;
	v59 =	vor.u32 v33, v2;
	v60 =	vld.idx.msk [tilespmem:v52+s2+$0x0], $0xffff  }
0xab: {  	v52 =	vor.u32 v24, v2;
	v61 =	vld.idx.msk [tilespmem:v55+s2+$0x0], $0xffff;
	v55 =	vadd.f32 v47, v44  }
0xac: {  	v41 =	vadd.f32 v48, v41;
	v62 =	vor.u32 v25, v2;
	v44 =	vadd.f32 v38, v45;
	v63 =	vld.idx.msk [tilespmem:v53+s2+$0x0], $0xffff  }
0xad: {  	v39 =	vor.u32 v36, v32;
	v53 =	vor.u32 v26, v2;
	v38 =	vadd.f32 v49, v46;
	v40 =	vld.idx.msk [tilespmem:v42+s2+$0x0], $0xffff  }
.Ltmp2:
0xae: {  	v50 =	vor.u32 v27, v2;
	v37 =	vadd.f32 v37, v57;
	v46 =	vadd.f32 v41, v44;
	v43 =	vld.idx.msk [tilespmem:v51+s2+$0x0], $0xffff;
	(pc) =	sbr.rel @p0 .LBB2_7-.Ltmp2, $4  }
0xaf: {  	v32 =	vmovc v35;
	v35 =	vmov v2;
	v51 =	vor.u32 v28, v2;
	v41 =	vadd.f32 v54, v56;
	v44 =	vld.idx.msk [tilespmem:v58+s2+$0x0], $0xffff  }
0xb0: {  	v42 =	vmovc v59;
	v45 =	vmov v55;
	v2 =	vadd.f32 v37, v46;
	v47 =	vld.idx.msk [tilespmem:v52+s2+$0x0], $0xffff;
	v52 =	vor.u32 v29, v35  }
0xb1: {  	v55 =	vor.u32 v30, v35;
	v48 =	vadd.f32 v61, v60;
	v46 =	vld.idx.msk [tilespmem:v62+s2+$0x0], $0xffff  }
0xb2: {  	v54 =	vsel vm0, $0x0, v2;
	v37 =	vmov v63;
	v49 =	vld.idx.msk [tilespmem:v53+s2+$0x0], $0xffff;
	v53 =	vor.u32 v31, v35  }
0xb3: {  	_ =	sdelay $0x3  }
0xb4: {  	v2 =	vld.idx.msk [tilespmem:v50+s2+$0x0], $0xffff;
	v23 =	vor.u32 v34, v35  }
0xb5: {  	v24 =	vld.idx.msk [tilespmem:v51+s2+$0x0], $0xffff  }
0xb6: {  	v25 =	vld.idx.msk [tilespmem:v52+s2+$0x0], $0xffff  }
0xb7: {  	v26 =	vld.idx.msk [tilespmem:v55+s2+$0x0], $0xffff  }
0xb8: {  	v27 =	vld.idx.msk [tilespmem:v42+s2+$0x0], $0xffff  }
0xb9: {  	v23 =	vld.idx.msk [tilespmem:v23+s2+$0x0], $0xffff  }
0xba: {  	v28 =	vadd.f32 v40, v43;
	v31 =	vadd.f32 v38, v45  }
0xbb: {  	v30 =	vld.idx.msk [tilespmem:v53+s2+$0x0], $0xffff;
	v29 =	vadd.f32 v47, v44;
	v33 =	vadd.f32 v49, v46  }
0xbc: {  	v2 =	vadd.f32 v24, v2;
	v58 =	vadd.f32 v26, v25  }
0xbd: {  	v59 =	vadd.f32 v48, v41;
	v60 =	vadd.f32 v33, v29  }
0xbe: {  	v2 =	vadd.f32 v58, v2;
	v23 =	vadd.f32 v27, v23  }
0xbf: {  	v61 =	vor.u32 v36, v32;
	s15 =	sadd.s32 $0x1, s15;
	v62 =	vadd.f32 v37, v28;
	v25 =	vadd.f32 v59, v31  }
0xc0: {  	v63 =	vor.u32 v36, v35;
	p0 =	sne.s32 s15, $0x8;
	v2 =	vadd.f32 v2, v60;
	v23 =	vadd.f32 v30, v23  }
.Ltmp3:
0xc1: {  	v25 =	vadd.f32 v62, v25;
	(pc) =	sbr.rel @p0 .LBB2_6-.Ltmp3, $4  }
0xc2: {  	v2 =	vadd.f32 v23, v2  }
0xc3: {  	[tilespmem:v39+s12+$0x0] =	vst.idx.msk $0xffff, v54;
	v23 =	vsel vm0, $0x0, v25  }
0xc4: {  	[tilespmem:v61+s12+$0x0] =	vst.idx.msk $0xffff, v23;
	v2 =	vsel vm0, $0x0, v2  }
0xc5: {  	[tilespmem:v63+s12+$0x0] =	vst.idx.msk $0xffff, v2  }
0xc6: {  	[hbm4b:s6+s2] =	stream.linear.scatter [tilespmem:s12], [sflag:$0x2], $0x4000, $0x38;
	[tilespmem:$0x1D900] =	vst v63  }
0xc7: {  	s13 =	sadd.s32 $0x1, s13  }
0xc8: {  	_ =	swait.ge [sflag:s10], $0x4000;
	p0 =	sne.s32 s13, s7  }
.Ltmp4:
0xc9: {  	[sflag:s10] =	ssyncset.done $0x0;
	(pc) =	sbr.rel @p0 .LBB2_1-.Ltmp4, $4  }
0xca: {  	[sflag:s10] =	ssyncadd.s32 $0xFFFFC000  }
0xcb: {  	_ =	swait.ge [sflag:s9], $0x4000  }
0xcc: {  	[sflag:s9] =	ssyncset.done $0x0  }
0xcd: {  	[sflag:s9] =	ssyncadd.s32 $0xFFFFC000  }
0xce: {  	_ =	sfence.sel $0x180000  }
0xcf: {  	[bflag:$0x0] =	sbarrier.arrive $0xFFFF  }
0xd0: {  	p0 =	sne.s32 s1, $0x0;
	_ =	strace $0x90000047  }
0xd1: {  	s0 =	sadd.s32 @!p0 $0x100000, s0;
	[bflag:$0x2] =	sbarrier.arrive $0xFFFF  }
0xd2: {  	[sflag:s0] =	ssyncadd.tile.s32 @!p0 $0x1;
	_ =	shalt  }
.Lfunc_end2:
_tile_overlayer_lowered:
.L_overlay_start_2:
0xd3: {  	(tag) =	ssettag $0x2  }
0xd4: {  	s0 =	rddreg [dreg:$0x0];
	s2 =	stileid.u32  }
0xd5: {  	s1 =	rddreg [dreg:$0x1];
	p0 =	sne.s32 s2, $0x0  }
0xd6: {  	s3 =	rddreg [dreg:$0x2];
	[bflag:$0x3] =	sbarrier.arrive $0xFFFF;
	s2 =	simm.s32 @!p0 $0x1C03  }
0xd7: {  	[timem:s3], [sflag:s2] =	dma.local @!p0 [hbm:s0], s1  }
0xd8: {  	s0 =	simm.s32 @!p0 $0x3  }
0xd9: {  	_ =	swait.ge @!p0 [sflag:s0], s1  }
0xda: {  	s1 =	ssub.s32 @!p0 $0x0, s1;
	[sflag:s0] =	ssyncset.done @!p0 $0x0  }
0xdb: {  	[sflag:s0] =	ssyncadd.s32 @!p0 s1  }
0xdc: {  	[bflag:$0x3] =	sbarrier.arrive $0xFFFF  }
0xdd: {  	_ =	shalt  }

</sc_bundles>
